<compile_context>
chip_gen: v7x
topology: tpu7x:2x2x1
jax: 0.10.2.dev20260603
libtpu: 0.0.44.dev20260713+nightly
codegen_flags: <defaults>
</compile_context>

<pallas_src>
import functools

import jax
import jax.numpy as jnp
from jax import lax
from jax.experimental import pallas as pl
from jax.experimental.pallas import tpu as pltpu
from jax.experimental.pallas import tpu_sc as plsc

_NBUF = 5


@functools.lru_cache(maxsize=None)
def _make_sc_gather(V, D, B):
    info = plsc.get_sparse_core_info()
    NC, NS = info.num_cores, info.num_subcores
    NW = NC * NS
    assert B % (16 * NW) == 0 and D % 16 == 0
    b_per_w = B // NW
    n_chunks = b_per_w // 16
    mesh = plsc.VectorSubcoreMesh(core_axis_name="c", subcore_axis_name="s")

    @functools.partial(
        pl.kernel,
        mesh=mesh,
        compiler_params=pltpu.CompilerParams(needs_layout_passes=False),
        out_type=jax.ShapeDtypeStruct((B, 128), jnp.float32),
        scratch_types=[
            pltpu.VMEM((b_per_w + 16,), jnp.int32),
            pltpu.VMEM((b_per_w + 16,), jnp.int32),
            pltpu.VMEM((b_per_w + 16,), jnp.int32),
            pltpu.VMEM((b_per_w // 128, 128), jnp.int32),
            pltpu.VMEM((2 * _NBUF, D, 128), jnp.float32),
            pltpu.VMEM((256, 128), jnp.float32),
        ] + [pltpu.SemaphoreType.DMA] * (_NBUF + 1),
    )
    def sc_gather(tableT_hbm, ids_hbm, pos_hbm, out_hbm,
                  idx_v, s_v, ucols, pos_v, stage_v, rows_v, *sems):
        wid = lax.axis_index("s") * NC + lax.axis_index("c")
        base = wid * b_per_w
        pltpu.sync_copy(ids_hbm.at[pl.ds(base, b_per_w)],
                        idx_v.at[pl.ds(0, b_per_w)])
        pltpu.sync_copy(pos_hbm.at[pl.ds(wid * (b_per_w // 128),
                                         b_per_w // 128)], pos_v)
        iota16 = lax.broadcasted_iota(jnp.int32, (16,), 0)
        big = jnp.full((16,), jnp.int32(1 << 30))
        s_v[pl.ds(b_per_w, 16)] = big

        def chunk(c, carry):
            vv = idx_v[pl.ds(c * 16, 16)]
            t = vv // 128
            shift_idx = jnp.maximum(iota16 + c * 16 - 1, 0)
            tprev = plsc.load_gather(idx_v, [shift_idx]) // 128
            newf = (t != tprev) | ((iota16 + c * 16) == 0)
            nf = newf.astype(jnp.int32)
            cum = plsc.cumsum(nf)
            s = carry + cum - 1
            s_v[pl.ds(c * 16, 16)] = s
            plsc.store_scatter(ucols, [s], t, mask=newf)
            return carry + cum[15]

        n_unique = lax.fori_loop(0, n_chunks, chunk, 0)
        n_grp = (n_unique + _NBUF - 1) // _NBUF

        def issue_group(g):
            uvg = plsc.load_gather(ucols, [iota16 + g * _NBUF])
            par = g - (g // 2) * 2

            @pl.when(par == 0)
            def _():
                for b in range(_NBUF):
                    @pl.when(g * _NBUF + b < n_unique)
                    def _(b=b):
                        start = pl.multiple_of(uvg[b] * 128, 128)
                        pltpu.async_copy(
                            tableT_hbm.at[pl.ds(0, D), pl.ds(start, 128)],
                            stage_v.at[b], sems[b])

            @pl.when(par == 1)
            def _():
                for b in range(_NBUF):
                    @pl.when(g * _NBUF + b < n_unique)
                    def _(b=b):
                        start = pl.multiple_of(uvg[b] * 128, 128)
                        pltpu.async_copy(
                            tableT_hbm.at[pl.ds(0, D), pl.ds(start, 128)],
                            stage_v.at[_NBUF + b], sems[b])

        issue_group(0)

        def group(g, carry):
            e0, fl0 = carry
            for b in range(_NBUF):
                @pl.when(g * _NBUF + b < n_unique)
                def _(b=b):
                    pltpu.make_async_copy(
                        tableT_hbm.at[pl.ds(0, D), pl.ds(0, 128)],
                        stage_v.at[b], sems[b]).wait()

            @pl.when(g + 1 < n_grp)
            def _():
                issue_group(g + 1)

            hi = (g + 1) * _NBUF
            off = (g - (g // 2) * 2) * _NBUF

            def cond(c):
                e, fl = c
                se = plsc.load_gather(s_v, [iota16 * 0 + e])[0]
                return (e < b_per_w) & (se < hi)

            def body(c):
                e, fl = c
                s_e = plsc.load_gather(s_v, [iota16 * 0 + e])[0]
                v_e = plsc.load_gather(idx_v, [iota16 * 0 + e])[0]
                slot = iota16 * 0 + (off + s_e - g * _NBUF)
                lane = iota16 * 0 + (v_e - (v_e // 128) * 128)
                ev = iota16 * 0 + (e - (e // 256) * 256)
                for k in range(D // 16):
                    col = plsc.load_gather(
                        stage_v, [slot, iota16 + k * 16, lane])
                    plsc.store_scatter(rows_v, [ev, iota16 + k * 16], col)

                def fcond(fl2):
                    return (fl2 + 1) * 128 <= e + 1

                def fbody(fl2):
                    roff = pl.multiple_of((fl2 - (fl2 // 2) * 2) * 128, 128)
                    pltpu.async_copy(
                        rows_v.at[pl.ds(roff, 128)],
                        out_hbm.at[pos_v.at[fl2]], sems[_NBUF]).wait()
                    return fl2 + 1

                fl = lax.while_loop(fcond, fbody, fl)
                return (e + 1, fl)

            return lax.while_loop(cond, body, (e0, fl0))

        lax.fori_loop(0, n_grp, group, (0, 0))

    return sc_gather


def _mlp_block(d_model, x_ref, w1_ref, b1_ref, g_ref, be_ref, mu_ref,
               var_ref, w2_ref, b2_ref, o_ref):
    x = x_ref[...][:, :d_model]
    h = jnp.dot(x, w1_ref[...], preferred_element_type=jnp.float32)
    h = jnp.maximum(h + b1_ref[...], 0.0)
    s = g_ref[...] * lax.rsqrt(var_ref[...] + 1e-5)
    t = be_ref[...] - mu_ref[...] * s
    h = h * s + t
    o = jnp.dot(h, w2_ref[...], preferred_element_type=jnp.float32)
    o_ref[...] = jnp.maximum(o + b2_ref[...], 0.0)


def _mlp(x, D, W1, b1, gamma, beta, mu, var, W2, b2, block_b):
    B, Dw = x.shape
    H = W1.shape[1]
    grid = (B // block_b,)
    row = lambda v: v.reshape(1, H)
    rep = lambda shape: pl.BlockSpec(shape, lambda i: (0, 0))
    return pl.pallas_call(
        functools.partial(_mlp_block, D),
        grid=grid,
        in_specs=[
            pl.BlockSpec((block_b, Dw), lambda i: (i, 0)),
            rep((D, H)), rep((1, H)), rep((1, H)), rep((1, H)),
            rep((1, H)), rep((1, H)), rep((H, H)), rep((1, H)),
        ],
        out_specs=pl.BlockSpec((block_b, H), lambda i: (i, 0)),
        out_shape=jax.ShapeDtypeStruct((B, H), jnp.float32),
    )(x, W1, row(b1), row(gamma), row(beta), row(mu), row(var), W2, row(b2))


def kernel(target_ids, emb_table, W1, b1, gamma, beta, running_mean,
           running_var, W2, b2):
    V, D = emb_table.shape
    B = target_ids.shape[0]
    ids = target_ids.astype(jnp.int32)
    ids_s, pos = lax.sort_key_val(ids, lax.iota(jnp.int32, B))
    pos2 = pos.reshape(B // 128, 128)
    xw = _make_sc_gather(V, D, B)(emb_table.T, ids_s, pos2)
    return _mlp(xw, D, W1, b1, gamma, beta, running_mean, running_var, W2, b2,
                block_b=2048)

# --- scband reference (transcript-rebuilt; emitter-appended) ---
"""Pipeline reference for scband-simple-protein-encoder-48850958025029 (READ-ONLY COPY).

The authoritative reference and input builder live on the scoring server;
editing this copy changes nothing except your own understanding.
"""

import jax, jax.numpy as jnp
import numpy as np

B = 16384
V = 1000000
D = 64
H = 256

def setup_inputs(seed: int = 0) -> dict:
    key = jax.random.key(seed)
    ks = jax.random.split(key, 6)
    target_ids = jax.random.randint(ks[0], (B,), 0, V)
    emb_table = jax.random.normal(ks[1], (V, D), dtype=jnp.float32) * 0.02
    W1 = jax.random.normal(ks[2], (D, H), dtype=jnp.float32) * (1.0 / np.sqrt(D))
    b1 = jnp.zeros((H,), dtype=jnp.float32)
    gamma = jnp.ones((H,), dtype=jnp.float32)
    beta = jnp.zeros((H,), dtype=jnp.float32)
    running_mean = jnp.zeros((H,), dtype=jnp.float32)
    running_var = jnp.ones((H,), dtype=jnp.float32)
    W2 = jax.random.normal(ks[3], (H, H), dtype=jnp.float32) * (1.0 / np.sqrt(H))
    b2 = jnp.zeros((H,), dtype=jnp.float32)
    return {
        "target_ids": target_ids,
        "emb_table": emb_table,
        "W1": W1,
        "b1": b1,
        "gamma": gamma,
        "beta": beta,
        "running_mean": running_mean,
        "running_var": running_var,
        "W2": W2,
        "b2": b2,
    }

def reference(target_ids, emb_table, W1, b1, gamma, beta, running_mean, running_var, W2, b2):
    # nn.Embedding lookup -> SparseCore gather
    x = jnp.take(emb_table, target_ids, axis=0)
    # Linear(D, 256)
    h = x @ W1 + b1
    # ReLU
    h = jax.nn.relu(h)
    # BatchNorm1d(256) in eval mode (running stats), eps=1e-5
    h = (h - running_mean) / jnp.sqrt(running_var + 1e-5) * gamma + beta
    # Dropout(0.2) is identity in eval mode
    # Linear(256, 256)
    h = h @ W2 + b2
    # ReLU
    return jax.nn.relu(h)

if __name__ == "__main__":
    import jax
    _d = setup_inputs()
    print(jax.jit(kernel)(*tuple(_d.values())))

</pallas_src>

<mosaic_0001>
#map = affine_map<(d0, d1) -> (0, 0)>
#map1 = affine_map<(d0, d1) -> (0)>
module attributes {stable_mosaic.version = 14 : i64} {
  func.func @sc_gather(%arg0: i32, %arg1: i32, %arg2: memref<64x1000000xf32, #tpu.memory_space<hbm>>, %arg3: memref<16384xi32, #tpu.memory_space<hbm>>, %arg4: memref<128x128xi32, #tpu.memory_space<hbm>>, %arg5: memref<16384x128xf32, #tpu.memory_space<hbm>>, %arg6: memref<528xi32, #tpu.memory_space<vmem>>, %arg7: memref<528xi32, #tpu.memory_space<vmem>>, %arg8: memref<528xi32, #tpu.memory_space<vmem>>, %arg9: memref<4x128xi32, #tpu.memory_space<vmem>>, %arg10: memref<10x64x128xf32, #tpu.memory_space<vmem>>, %arg11: memref<256x128xf32, #tpu.memory_space<vmem>>, %arg12: memref<!tpu.dma_semaphore, #tpu.memory_space<semaphore_mem>>, %arg13: memref<!tpu.dma_semaphore, #tpu.memory_space<semaphore_mem>>, %arg14: memref<!tpu.dma_semaphore, #tpu.memory_space<semaphore_mem>>, %arg15: memref<!tpu.dma_semaphore, #tpu.memory_space<semaphore_mem>>, %arg16: memref<!tpu.dma_semaphore, #tpu.memory_space<semaphore_mem>>, %arg17: memref<!tpu.dma_semaphore, #tpu.memory_space<semaphore_mem>>) attributes {dimension_semantics = [#tpu.dimension_semantics<core_parallel>, #tpu.dimension_semantics<subcore_parallel>], iteration_bounds = array<i64: 2, 16>, scalar_prefetch = 0 : i64, scratch_operands = 12 : i64, tpu.core_type = #tpu.core_type<sc_vector_subcore>, window_params = [{transform_indices = #map}, {transform_indices = #map1}, {transform_indices = #map}, {transform_indices = #map}]} {
    %mul3A = arith.constant 2 : i32
    %mul3A_0 = arith.muli %arg1, %mul3A : i32
    %add3A = arith.addi %mul3A_0, %arg0 : i32
    %mul3A_1 = arith.constant 512 : i32
    %mul3A_2 = arith.muli %add3A, %mul3A_1 : i32
    "tpu.region"() ({
      %run_scoped3A = tpu.sem_alloc : memref<!tpu.dma_semaphore, #tpu.memory_space<semaphore_mem>>
      %dma_start3A = arith.constant 0 : i32
      %dma_start3A_70 = tpu.memref_slice %arg6[%dma_start3A] : memref<528xi32, #tpu.memory_space<vmem>> -> memref<512xi32, #tpu.memory_space<vmem>>
      %dma_start3A_71 = tpu.memref_slice %arg3[%mul3A_2] : memref<16384xi32, #tpu.memory_space<hbm>> -> memref<512xi32, #tpu.memory_space<hbm>>
      %dma_start3A_72 = arith.constant 0 : i32
      %dma_start3A_73 = tpu.memref_slice %arg6[%dma_start3A_72] : memref<528xi32, #tpu.memory_space<vmem>> -> memref<512xi32, #tpu.memory_space<vmem>>
      %dma_start3A_74 = tpu.memref_slice %arg3[%mul3A_2] : memref<16384xi32, #tpu.memory_space<hbm>> -> memref<512xi32, #tpu.memory_space<hbm>>
      tpu.enqueue_dma source(%dma_start3A_74 : memref<512xi32, #tpu.memory_space<hbm>>) target(%dma_start3A_73 : memref<512xi32, #tpu.memory_space<vmem>>) target_semaphore(%run_scoped3A : memref<!tpu.dma_semaphore, #tpu.memory_space<semaphore_mem>>)
      %dma_wait3A = arith.constant 0 : i32
      %dma_wait3A_75 = tpu.memref_slice %arg6[%dma_wait3A] : memref<528xi32, #tpu.memory_space<vmem>> -> memref<512xi32, #tpu.memory_space<vmem>>
      %dma_wait3A_76 = tpu.memref_slice %arg3[%mul3A_2] : memref<16384xi32, #tpu.memory_space<hbm>> -> memref<512xi32, #tpu.memory_space<hbm>>
      %dma_wait3A_77 = arith.constant 0 : i32
      %dma_wait3A_78 = tpu.memref_slice %arg6[%dma_wait3A_77] : memref<528xi32, #tpu.memory_space<vmem>> -> memref<512xi32, #tpu.memory_space<vmem>>
      %dma_wait3A_79 = tpu.memref_slice %arg3[%mul3A_2] : memref<16384xi32, #tpu.memory_space<hbm>> -> memref<512xi32, #tpu.memory_space<hbm>>
      tpu.wait_dma2 semaphore(%run_scoped3A : memref<!tpu.dma_semaphore, #tpu.memory_space<semaphore_mem>>) src(%dma_wait3A_79 : memref<512xi32, #tpu.memory_space<hbm>>) dst(%dma_wait3A_78 : memref<512xi32, #tpu.memory_space<vmem>>)
      tpu.yield
    }) : () -> ()
    %mul3A_3 = arith.constant 4 : i32
    %mul3A_4 = arith.muli %add3A, %mul3A_3 : i32
    "tpu.region"() ({
      %run_scoped3A = tpu.sem_alloc : memref<!tpu.dma_semaphore, #tpu.memory_space<semaphore_mem>>
      %dma_start3A = arith.constant 0 : i32
      %dma_start3A_70 = tpu.memref_slice %arg4[%mul3A_4, %dma_start3A] : memref<128x128xi32, #tpu.memory_space<hbm>> -> memref<4x128xi32, #tpu.memory_space<hbm>>
      %dma_start3A_71 = arith.constant 0 : i32
      %dma_start3A_72 = tpu.memref_slice %arg4[%mul3A_4, %dma_start3A_71] : memref<128x128xi32, #tpu.memory_space<hbm>> -> memref<4x128xi32, #tpu.memory_space<hbm>>
      tpu.enqueue_dma source(%dma_start3A_72 : memref<4x128xi32, #tpu.memory_space<hbm>>) target(%arg9 : memref<4x128xi32, #tpu.memory_space<vmem>>) target_semaphore(%run_scoped3A : memref<!tpu.dma_semaphore, #tpu.memory_space<semaphore_mem>>)
      %dma_wait3A = arith.constant 0 : i32
      %dma_wait3A_73 = tpu.memref_slice %arg4[%mul3A_4, %dma_wait3A] : memref<128x128xi32, #tpu.memory_space<hbm>> -> memref<4x128xi32, #tpu.memory_space<hbm>>
      %dma_wait3A_74 = arith.constant 0 : i32
      %dma_wait3A_75 = tpu.memref_slice %arg4[%mul3A_4, %dma_wait3A_74] : memref<128x128xi32, #tpu.memory_space<hbm>> -> memref<4x128xi32, #tpu.memory_space<hbm>>
      tpu.wait_dma2 semaphore(%run_scoped3A : memref<!tpu.dma_semaphore, #tpu.memory_space<semaphore_mem>>) src(%dma_wait3A_75 : memref<4x128xi32, #tpu.memory_space<hbm>>) dst(%arg9 : memref<4x128xi32, #tpu.memory_space<vmem>>)
      tpu.yield
    }) : () -> ()
    %iota3A = tpu.iota {dimensions = array<i32: 0>} : vector<16xi32>
    %broadcast_in_dim3A = arith.constant 1073741824 : i32
    %broadcast_in_dim3A_5 = vector.broadcast %broadcast_in_dim3A : i32 to vector<16xi32>
    %swap3A = arith.constant 512 : index
    %swap3A_6 = tpu.vector_load %arg7[%swap3A] {strides = array<i32>} : memref<528xi32, #tpu.memory_space<vmem>>, vector<16xi32>,
    tpu.vector_store %arg7[%swap3A], %broadcast_in_dim3A_5 {strides = array<i32>} : memref<528xi32, #tpu.memory_space<vmem>>, vector<16xi32>,
    %scan3A = arith.constant 0 : i32
    %scan3A_7 = arith.constant 0 : i32
    %scan3A_8 = arith.constant 32 : i32
    %scan3A_9 = arith.addi %scan3A_7, %scan3A_8 : i32
    %scan3A_10 = arith.constant 1 : i32
    %scan3A_11 = scf.for %scan3A_70 = %scan3A_7 to %scan3A_9 step %scan3A_10 iter_args(%scan3A_71 = %scan3A) -> (i32)  : i32 {
      %mul3A_72 = arith.constant 16 : i32
      %mul3A_73 = arith.muli %scan3A_70, %mul3A_72 : i32
      %get3A = arith.index_cast %mul3A_73 : i32 to index
      %get3A_74 = tpu.vector_load %arg6[%get3A] {strides = array<i32>} : memref<528xi32, #tpu.memory_space<vmem>>, vector<16xi32>,
      %jit3A_75 = arith.constant 128 : i32
      %div3A_76 = vector.broadcast %jit3A_75 : i32 to vector<16xi32>
      %div3A_77 = arith.divsi %get3A_74, %div3A_76 : vector<16xi32>
      %sign3A_78 = arith.constant 0 : i32
      %sign3A_79 = vector.broadcast %sign3A_78 : i32 to vector<16xi32>
      %sign3A_80 = arith.cmpi sgt, %get3A_74, %sign3A_79 : vector<16xi32>
      %sign3A_81 = arith.extui %sign3A_80 : vector<16xi1> to vector<16xi32>
      %sign3A_82 = arith.constant 0 : i32
      %sign3A_83 = vector.broadcast %sign3A_82 : i32 to vector<16xi32>
      %sign3A_84 = arith.cmpi slt, %get3A_74, %sign3A_83 : vector<16xi32>
      %sign3A_85 = arith.extui %sign3A_84 : vector<16xi1> to vector<16xi32>
      %sign3A_86 = arith.subi %sign3A_81, %sign3A_85 : vector<16xi32>
      %sign3A_87 = arith.constant 0 : i32
      %sign3A_88 = arith.cmpi sgt, %jit3A_75, %sign3A_87 : i32
      %sign3A_89 = arith.extui %sign3A_88 : i1 to i32
      %sign3A_90 = arith.constant 0 : i32
      %sign3A_91 = arith.cmpi slt, %jit3A_75, %sign3A_90 : i32
      %sign3A_92 = arith.extui %sign3A_91 : i1 to i32
      %sign3A_93 = arith.subi %sign3A_89, %sign3A_92 : i32
      %ne3A_94 = vector.broadcast %sign3A_93 : i32 to vector<16xi32>
      %ne3A_95 = arith.cmpi ne, %sign3A_86, %ne3A_94 : vector<16xi32>
      %rem3A_96 = vector.broadcast %jit3A_75 : i32 to vector<16xi32>
      %rem3A_97 = arith.remsi %get3A_74, %rem3A_96 : vector<16xi32>
      %ne3A_98 = arith.constant 0 : i32
      %ne3A_99 = vector.broadcast %ne3A_98 : i32 to vector<16xi32>
      %ne3A_100 = arith.cmpi ne, %rem3A_97, %ne3A_99 : vector<16xi32>
      %and3A_101 = arith.andi %ne3A_95, %ne3A_100 : vector<16xi1>
      %sub3A_102 = arith.constant 1 : i32
      %sub3A_103 = vector.broadcast %sub3A_102 : i32 to vector<16xi32>
      %sub3A_104 = arith.subi %div3A_77, %sub3A_103 : vector<16xi32>
      %select_n3A_105 = arith.select %and3A_101, %sub3A_104, %div3A_77 : vector<16xi1>, vector<16xi32>
      %mul3A_106 = arith.constant 16 : i32
      %mul3A_107 = arith.muli %scan3A_70, %mul3A_106 : i32
      %add3A_108 = vector.broadcast %mul3A_107 : i32 to vector<16xi32>
      %add3A_109 = arith.addi %iota3A, %add3A_108 : vector<16xi32>
      %sub3A_110 = arith.constant 1 : i32
      %sub3A_111 = vector.broadcast %sub3A_110 : i32 to vector<16xi32>
      %sub3A_112 = arith.subi %add3A_109, %sub3A_111 : vector<16xi32>
      %max3A = arith.constant 0 : i32
      %max3A_113 = vector.broadcast %max3A : i32 to vector<16xi32>
      %max3A_114 = arith.maxsi %sub3A_112, %max3A_113 : vector<16xi32>
      %gather3A_115 = tpu.vector_load_idx %arg6[%max3A_114] : memref<528xi32, #tpu.memory_space<vmem>>[vector<16xi32>], vector<16xi32>,
      %jit3A_116 = arith.constant 128 : i32
      %div3A_117 = vector.broadcast %jit3A_116 : i32 to vector<16xi32>
      %div3A_118 = arith.divsi %gather3A_115, %div3A_117 : vector<16xi32>
      %sign3A_119 = arith.constant 0 : i32
      %sign3A_120 = vector.broadcast %sign3A_119 : i32 to vector<16xi32>
      %sign3A_121 = arith.cmpi sgt, %gather3A_115, %sign3A_120 : vector<16xi32>
      %sign3A_122 = arith.extui %sign3A_121 : vector<16xi1> to vector<16xi32>
      %sign3A_123 = arith.constant 0 : i32
      %sign3A_124 = vector.broadcast %sign3A_123 : i32 to vector<16xi32>
      %sign3A_125 = arith.cmpi slt, %gather3A_115, %sign3A_124 : vector<16xi32>
      %sign3A_126 = arith.extui %sign3A_125 : vector<16xi1> to vector<16xi32>
      %sign3A_127 = arith.subi %sign3A_122, %sign3A_126 : vector<16xi32>
      %sign3A_128 = arith.constant 0 : i32
      %sign3A_129 = arith.cmpi sgt, %jit3A_116, %sign3A_128 : i32
      %sign3A_130 = arith.extui %sign3A_129 : i1 to i32
      %sign3A_131 = arith.constant 0 : i32
      %sign3A_132 = arith.cmpi slt, %jit3A_116, %sign3A_131 : i32
      %sign3A_133 = arith.extui %sign3A_132 : i1 to i32
      %sign3A_134 = arith.subi %sign3A_130, %sign3A_133 : i32
      %ne3A_135 = vector.broadcast %sign3A_134 : i32 to vector<16xi32>
      %ne3A_136 = arith.cmpi ne, %sign3A_127, %ne3A_135 : vector<16xi32>
      %rem3A_137 = vector.broadcast %jit3A_116 : i32 to vector<16xi32>
      %rem3A_138 = arith.remsi %gather3A_115, %rem3A_137 : vector<16xi32>
      %ne3A_139 = arith.constant 0 : i32
      %ne3A_140 = vector.broadcast %ne3A_139 : i32 to vector<16xi32>
      %ne3A_141 = arith.cmpi ne, %rem3A_138, %ne3A_140 : vector<16xi32>
      %and3A_142 = arith.andi %ne3A_136, %ne3A_141 : vector<16xi1>
      %sub3A_143 = arith.constant 1 : i32
      %sub3A_144 = vector.broadcast %sub3A_143 : i32 to vector<16xi32>
      %sub3A_145 = arith.subi %div3A_118, %sub3A_144 : vector<16xi32>
      %select_n3A_146 = arith.select %and3A_142, %sub3A_145, %div3A_118 : vector<16xi1>, vector<16xi32>
      %ne3A_147 = arith.cmpi ne, %select_n3A_105, %select_n3A_146 : vector<16xi32>
      %mul3A_148 = arith.constant 16 : i32
      %mul3A_149 = arith.muli %scan3A_70, %mul3A_148 : i32
      %add3A_150 = vector.broadcast %mul3A_149 : i32 to vector<16xi32>
      %add3A_151 = arith.addi %iota3A, %add3A_150 : vector<16xi32>
      %eq3A = arith.constant 0 : i32
      %eq3A_152 = vector.broadcast %eq3A : i32 to vector<16xi32>
      %eq3A_153 = arith.cmpi eq, %add3A_151, %eq3A_152 : vector<16xi32>
      %or3A = arith.ori %ne3A_147, %eq3A_153 : vector<16xi1>
      %convert_element_type3A_154 = arith.extui %or3A : vector<16xi1> to vector<16xi32>
      %broadcast_in_dim3A_155 = arith.constant true
      %broadcast_in_dim3A_156 = vector.broadcast %broadcast_in_dim3A_155 : i1 to vector<16xi1>
      %masked_cumsum3A = tpu.scan <sum>, %convert_element_type3A_154 masked %broadcast_in_dim3A_156 : vector<16xi32>, vector<16xi1> -> vector<16xi32>
      %add3A_157 = vector.broadcast %scan3A_71 : i32 to vector<16xi32>
      %add3A_158 = arith.addi %add3A_157, %masked_cumsum3A : vector<16xi32>
      %sub3A_159 = arith.constant 1 : i32
      %sub3A_160 = vector.broadcast %sub3A_159 : i32 to vector<16xi32>
      %sub3A_161 = arith.subi %add3A_158, %sub3A_160 : vector<16xi32>
      %mul3A_162 = arith.constant 16 : i32
      %mul3A_163 = arith.muli %scan3A_70, %mul3A_162 : i32
      %swap3A_164 = arith.index_cast %mul3A_163 : i32 to index
      %swap3A_165 = tpu.vector_load %arg7[%swap3A_164] {strides = array<i32>} : memref<528xi32, #tpu.memory_space<vmem>>, vector<16xi32>,
      tpu.vector_store %arg7[%swap3A_164], %sub3A_161 {strides = array<i32>} : memref<528xi32, #tpu.memory_space<vmem>>, vector<16xi32>,
      tpu.vector_store_idx %arg8[%sub3A_161], %select_n3A_105 masked %or3A : memref<528xi32, #tpu.memory_space<vmem>>[vector<16xi32>], vector<16xi32>, vector<16xi1>
      %slice3A = vector.extract_strided_slice %masked_cumsum3A {offsets = [15], sizes = [1], strides = [1]} : vector<16xi32> to vector<1xi32>
      %squeeze3A = vector.extract %slice3A[0] : i32 from vector<1xi32>
      %add3A_166 = arith.addi %scan3A_71, %squeeze3A : i32
      scf.yield %add3A_166 : i32
    }
    %scan3A_12 = arith.constant 32 : i32
    %add3A_13 = arith.constant 5 : i32
    %add3A_14 = arith.addi %scan3A_11, %add3A_13 : i32
    %sub3A = arith.constant 1 : i32
    %sub3A_15 = arith.subi %add3A_14, %sub3A : i32
    %jit3A = arith.constant 5 : i32
    %div3A = arith.divsi %sub3A_15, %jit3A : i32
    %sign3A = arith.constant 0 : i32
    %sign3A_16 = arith.cmpi sgt, %sub3A_15, %sign3A : i32
    %sign3A_17 = arith.extui %sign3A_16 : i1 to i32
    %sign3A_18 = arith.constant 0 : i32
    %sign3A_19 = arith.cmpi slt, %sub3A_15, %sign3A_18 : i32
    %sign3A_20 = arith.extui %sign3A_19 : i1 to i32
    %sign3A_21 = arith.subi %sign3A_17, %sign3A_20 : i32
    %sign3A_22 = arith.constant 0 : i32
    %sign3A_23 = arith.cmpi sgt, %jit3A, %sign3A_22 : i32
    %sign3A_24 = arith.extui %sign3A_23 : i1 to i32
    %sign3A_25 = arith.constant 0 : i32
    %sign3A_26 = arith.cmpi slt, %jit3A, %sign3A_25 : i32
    %sign3A_27 = arith.extui %sign3A_26 : i1 to i32
    %sign3A_28 = arith.subi %sign3A_24, %sign3A_27 : i32
    %ne3A = arith.cmpi ne, %sign3A_21, %sign3A_28 : i32
    %rem3A = arith.remsi %sub3A_15, %jit3A : i32
    %ne3A_29 = arith.constant 0 : i32
    %ne3A_30 = arith.cmpi ne, %rem3A, %ne3A_29 : i32
    %and3A = arith.andi %ne3A, %ne3A_30 : i1
    %sub3A_31 = arith.constant 1 : i32
    %sub3A_32 = arith.subi %div3A, %sub3A_31 : i32
    %select_n3A = arith.select %and3A, %sub3A_32, %div3A : i32
    %add3A_33 = arith.constant 0 : i32
    %add3A_34 = vector.broadcast %add3A_33 : i32 to vector<16xi32>
    %add3A_35 = arith.addi %iota3A, %add3A_34 : vector<16xi32>
    %gather3A = tpu.vector_load_idx %arg8[%add3A_35] : memref<528xi32, #tpu.memory_space<vmem>>[vector<16xi32>], vector<16xi32>,
    %gt3A = arith.constant 0 : i32
    %gt3A_36 = arith.cmpi sgt, %scan3A_11, %gt3A : i32
    %convert_element_type3A = arith.extui %gt3A_36 : i1 to i32
    %cond3A = arith.constant 0 : i32
    %cond3A_37 = arith.cmpi ne, %convert_element_type3A, %cond3A : i32
    scf.if %cond3A_37 {
      %slice3A = vector.extract_strided_slice %gather3A {offsets = [0], sizes = [1], strides = [1]} : vector<16xi32> to vector<1xi32>
      %squeeze3A = vector.extract %slice3A[0] : i32 from vector<1xi32>
      %mul3A_70 = arith.constant 128 : i32
      %mul3A_71 = arith.muli %squeeze3A, %mul3A_70 : i32
      %multiple_of3A = tpu.assume_multiple %mul3A_71, 128 : i32
      %dma_start3A = arith.constant 0 : i32
      %dma_start3A_72 = arith.constant 0 : i32
      %dma_start3A_73 = arith.constant 0 : i32
      %dma_start3A_74 = tpu.memref_slice %arg10[%dma_start3A, %dma_start3A_72, %dma_start3A_73] : memref<10x64x128xf32, #tpu.memory_space<vmem>> -> memref<1x64x128xf32, #tpu.memory_space<vmem>>
      %dma_start3A_75 = tpu.memref_squeeze %dma_start3A_74 : memref<1x64x128xf32, #tpu.memory_space<vmem>> -> memref<64x128xf32, #tpu.memory_space<vmem>>
      %dma_start3A_76 = arith.constant 0 : i32
      %dma_start3A_77 = tpu.memref_slice %arg2[%dma_start3A_76, %multiple_of3A] : memref<64x1000000xf32, #tpu.memory_space<hbm>> -> memref<64x128xf32, #tpu.memory_space<hbm>>
      %dma_start3A_78 = arith.constant 0 : i32
      %dma_start3A_79 = arith.constant 0 : i32
      %dma_start3A_80 = tpu.memref_slice %arg10[%dma_start3A, %dma_start3A_78, %dma_start3A_79] : memref<10x64x128xf32, #tpu.memory_space<vmem>> -> memref<1x64x128xf32, #tpu.memory_space<vmem>>
      %dma_start3A_81 = tpu.memref_squeeze %dma_start3A_80 : memref<1x64x128xf32, #tpu.memory_space<vmem>> -> memref<64x128xf32, #tpu.memory_space<vmem>>
      %dma_start3A_82 = arith.constant 0 : i32
      %dma_start3A_83 = tpu.memref_slice %arg2[%dma_start3A_82, %multiple_of3A] : memref<64x1000000xf32, #tpu.memory_space<hbm>> -> memref<64x128xf32, #tpu.memory_space<hbm>>
      tpu.enqueue_dma source(%dma_start3A_83 : memref<64x128xf32, #tpu.memory_space<hbm>>) target(%dma_start3A_81 : memref<64x128xf32, #tpu.memory_space<vmem>>) target_semaphore(%arg12 : memref<!tpu.dma_semaphore, #tpu.memory_space<semaphore_mem>>)
    } else {
    }
    %gt3A_38 = arith.constant 1 : i32
    %gt3A_39 = arith.cmpi sgt, %scan3A_11, %gt3A_38 : i32
    %convert_element_type3A_40 = arith.extui %gt3A_39 : i1 to i32
    %cond3A_41 = arith.constant 0 : i32
    %cond3A_42 = arith.cmpi ne, %convert_element_type3A_40, %cond3A_41 : i32
    scf.if %cond3A_42 {
      %slice3A = vector.extract_strided_slice %gather3A {offsets = [1], sizes = [1], strides = [1]} : vector<16xi32> to vector<1xi32>
      %squeeze3A = vector.extract %slice3A[0] : i32 from vector<1xi32>
      %mul3A_70 = arith.constant 128 : i32
      %mul3A_71 = arith.muli %squeeze3A, %mul3A_70 : i32
      %multiple_of3A = tpu.assume_multiple %mul3A_71, 128 : i32
      %dma_start3A = arith.constant 1 : i32
      %dma_start3A_72 = arith.constant 0 : i32
      %dma_start3A_73 = arith.constant 0 : i32
      %dma_start3A_74 = tpu.memref_slice %arg10[%dma_start3A, %dma_start3A_72, %dma_start3A_73] : memref<10x64x128xf32, #tpu.memory_space<vmem>> -> memref<1x64x128xf32, #tpu.memory_space<vmem>>
      %dma_start3A_75 = tpu.memref_squeeze %dma_start3A_74 : memref<1x64x128xf32, #tpu.memory_space<vmem>> -> memref<64x128xf32, #tpu.memory_space<vmem>>
      %dma_start3A_76 = arith.constant 0 : i32
      %dma_start3A_77 = tpu.memref_slice %arg2[%dma_start3A_76, %multiple_of3A] : memref<64x1000000xf32, #tpu.memory_space<hbm>> -> memref<64x128xf32, #tpu.memory_space<hbm>>
      %dma_start3A_78 = arith.constant 0 : i32
      %dma_start3A_79 = arith.constant 0 : i32
      %dma_start3A_80 = tpu.memref_slice %arg10[%dma_start3A, %dma_start3A_78, %dma_start3A_79] : memref<10x64x128xf32, #tpu.memory_space<vmem>> -> memref<1x64x128xf32, #tpu.memory_space<vmem>>
      %dma_start3A_81 = tpu.memref_squeeze %dma_start3A_80 : memref<1x64x128xf32, #tpu.memory_space<vmem>> -> memref<64x128xf32, #tpu.memory_space<vmem>>
      %dma_start3A_82 = arith.constant 0 : i32
      %dma_start3A_83 = tpu.memref_slice %arg2[%dma_start3A_82, %multiple_of3A] : memref<64x1000000xf32, #tpu.memory_space<hbm>> -> memref<64x128xf32, #tpu.memory_space<hbm>>
      tpu.enqueue_dma source(%dma_start3A_83 : memref<64x128xf32, #tpu.memory_space<hbm>>) target(%dma_start3A_81 : memref<64x128xf32, #tpu.memory_space<vmem>>) target_semaphore(%arg13 : memref<!tpu.dma_semaphore, #tpu.memory_space<semaphore_mem>>)
    } else {
    }
    %gt3A_43 = arith.constant 2 : i32
    %gt3A_44 = arith.cmpi sgt, %scan3A_11, %gt3A_43 : i32
    %convert_element_type3A_45 = arith.extui %gt3A_44 : i1 to i32
    %cond3A_46 = arith.constant 0 : i32
    %cond3A_47 = arith.cmpi ne, %convert_element_type3A_45, %cond3A_46 : i32
    scf.if %cond3A_47 {
      %slice3A = vector.extract_strided_slice %gather3A {offsets = [2], sizes = [1], strides = [1]} : vector<16xi32> to vector<1xi32>
      %squeeze3A = vector.extract %slice3A[0] : i32 from vector<1xi32>
      %mul3A_70 = arith.constant 128 : i32
      %mul3A_71 = arith.muli %squeeze3A, %mul3A_70 : i32
      %multiple_of3A = tpu.assume_multiple %mul3A_71, 128 : i32
      %dma_start3A = arith.constant 2 : i32
      %dma_start3A_72 = arith.constant 0 : i32
      %dma_start3A_73 = arith.constant 0 : i32
      %dma_start3A_74 = tpu.memref_slice %arg10[%dma_start3A, %dma_start3A_72, %dma_start3A_73] : memref<10x64x128xf32, #tpu.memory_space<vmem>> -> memref<1x64x128xf32, #tpu.memory_space<vmem>>
      %dma_start3A_75 = tpu.memref_squeeze %dma_start3A_74 : memref<1x64x128xf32, #tpu.memory_space<vmem>> -> memref<64x128xf32, #tpu.memory_space<vmem>>
      %dma_start3A_76 = arith.constant 0 : i32
      %dma_start3A_77 = tpu.memref_slice %arg2[%dma_start3A_76, %multiple_of3A] : memref<64x1000000xf32, #tpu.memory_space<hbm>> -> memref<64x128xf32, #tpu.memory_space<hbm>>
      %dma_start3A_78 = arith.constant 0 : i32
      %dma_start3A_79 = arith.constant 0 : i32
      %dma_start3A_80 = tpu.memref_slice %arg10[%dma_start3A, %dma_start3A_78, %dma_start3A_79] : memref<10x64x128xf32, #tpu.memory_space<vmem>> -> memref<1x64x128xf32, #tpu.memory_space<vmem>>
      %dma_start3A_81 = tpu.memref_squeeze %dma_start3A_80 : memref<1x64x128xf32, #tpu.memory_space<vmem>> -> memref<64x128xf32, #tpu.memory_space<vmem>>
      %dma_start3A_82 = arith.constant 0 : i32
      %dma_start3A_83 = tpu.memref_slice %arg2[%dma_start3A_82, %multiple_of3A] : memref<64x1000000xf32, #tpu.memory_space<hbm>> -> memref<64x128xf32, #tpu.memory_space<hbm>>
      tpu.enqueue_dma source(%dma_start3A_83 : memref<64x128xf32, #tpu.memory_space<hbm>>) target(%dma_start3A_81 : memref<64x128xf32, #tpu.memory_space<vmem>>) target_semaphore(%arg14 : memref<!tpu.dma_semaphore, #tpu.memory_space<semaphore_mem>>)
    } else {
    }
    %gt3A_48 = arith.constant 3 : i32
    %gt3A_49 = arith.cmpi sgt, %scan3A_11, %gt3A_48 : i32
    %convert_element_type3A_50 = arith.extui %gt3A_49 : i1 to i32
    %cond3A_51 = arith.constant 0 : i32
    %cond3A_52 = arith.cmpi ne, %convert_element_type3A_50, %cond3A_51 : i32
    scf.if %cond3A_52 {
      %slice3A = vector.extract_strided_slice %gather3A {offsets = [3], sizes = [1], strides = [1]} : vector<16xi32> to vector<1xi32>
      %squeeze3A = vector.extract %slice3A[0] : i32 from vector<1xi32>
      %mul3A_70 = arith.constant 128 : i32
      %mul3A_71 = arith.muli %squeeze3A, %mul3A_70 : i32
      %multiple_of3A = tpu.assume_multiple %mul3A_71, 128 : i32
      %dma_start3A = arith.constant 3 : i32
      %dma_start3A_72 = arith.constant 0 : i32
      %dma_start3A_73 = arith.constant 0 : i32
      %dma_start3A_74 = tpu.memref_slice %arg10[%dma_start3A, %dma_start3A_72, %dma_start3A_73] : memref<10x64x128xf32, #tpu.memory_space<vmem>> -> memref<1x64x128xf32, #tpu.memory_space<vmem>>
      %dma_start3A_75 = tpu.memref_squeeze %dma_start3A_74 : memref<1x64x128xf32, #tpu.memory_space<vmem>> -> memref<64x128xf32, #tpu.memory_space<vmem>>
      %dma_start3A_76 = arith.constant 0 : i32
      %dma_start3A_77 = tpu.memref_slice %arg2[%dma_start3A_76, %multiple_of3A] : memref<64x1000000xf32, #tpu.memory_space<hbm>> -> memref<64x128xf32, #tpu.memory_space<hbm>>
      %dma_start3A_78 = arith.constant 0 : i32
      %dma_start3A_79 = arith.constant 0 : i32
      %dma_start3A_80 = tpu.memref_slice %arg10[%dma_start3A, %dma_start3A_78, %dma_start3A_79] : memref<10x64x128xf32, #tpu.memory_space<vmem>> -> memref<1x64x128xf32, #tpu.memory_space<vmem>>
      %dma_start3A_81 = tpu.memref_squeeze %dma_start3A_80 : memref<1x64x128xf32, #tpu.memory_space<vmem>> -> memref<64x128xf32, #tpu.memory_space<vmem>>
      %dma_start3A_82 = arith.constant 0 : i32
      %dma_start3A_83 = tpu.memref_slice %arg2[%dma_start3A_82, %multiple_of3A] : memref<64x1000000xf32, #tpu.memory_space<hbm>> -> memref<64x128xf32, #tpu.memory_space<hbm>>
      tpu.enqueue_dma source(%dma_start3A_83 : memref<64x128xf32, #tpu.memory_space<hbm>>) target(%dma_start3A_81 : memref<64x128xf32, #tpu.memory_space<vmem>>) target_semaphore(%arg15 : memref<!tpu.dma_semaphore, #tpu.memory_space<semaphore_mem>>)
    } else {
    }
    %gt3A_53 = arith.constant 4 : i32
    %gt3A_54 = arith.cmpi sgt, %scan3A_11, %gt3A_53 : i32
    %convert_element_type3A_55 = arith.extui %gt3A_54 : i1 to i32
    %cond3A_56 = arith.constant 0 : i32
    %cond3A_57 = arith.cmpi ne, %convert_element_type3A_55, %cond3A_56 : i32
    scf.if %cond3A_57 {
      %slice3A = vector.extract_strided_slice %gather3A {offsets = [4], sizes = [1], strides = [1]} : vector<16xi32> to vector<1xi32>
      %squeeze3A = vector.extract %slice3A[0] : i32 from vector<1xi32>
      %mul3A_70 = arith.constant 128 : i32
      %mul3A_71 = arith.muli %squeeze3A, %mul3A_70 : i32
      %multiple_of3A = tpu.assume_multiple %mul3A_71, 128 : i32
      %dma_start3A = arith.constant 4 : i32
      %dma_start3A_72 = arith.constant 0 : i32
      %dma_start3A_73 = arith.constant 0 : i32
      %dma_start3A_74 = tpu.memref_slice %arg10[%dma_start3A, %dma_start3A_72, %dma_start3A_73] : memref<10x64x128xf32, #tpu.memory_space<vmem>> -> memref<1x64x128xf32, #tpu.memory_space<vmem>>
      %dma_start3A_75 = tpu.memref_squeeze %dma_start3A_74 : memref<1x64x128xf32, #tpu.memory_space<vmem>> -> memref<64x128xf32, #tpu.memory_space<vmem>>
      %dma_start3A_76 = arith.constant 0 : i32
      %dma_start3A_77 = tpu.memref_slice %arg2[%dma_start3A_76, %multiple_of3A] : memref<64x1000000xf32, #tpu.memory_space<hbm>> -> memref<64x128xf32, #tpu.memory_space<hbm>>
      %dma_start3A_78 = arith.constant 0 : i32
      %dma_start3A_79 = arith.constant 0 : i32
      %dma_start3A_80 = tpu.memref_slice %arg10[%dma_start3A, %dma_start3A_78, %dma_start3A_79] : memref<10x64x128xf32, #tpu.memory_space<vmem>> -> memref<1x64x128xf32, #tpu.memory_space<vmem>>
      %dma_start3A_81 = tpu.memref_squeeze %dma_start3A_80 : memref<1x64x128xf32, #tpu.memory_space<vmem>> -> memref<64x128xf32, #tpu.memory_space<vmem>>
      %dma_start3A_82 = arith.constant 0 : i32
      %dma_start3A_83 = tpu.memref_slice %arg2[%dma_start3A_82, %multiple_of3A] : memref<64x1000000xf32, #tpu.memory_space<hbm>> -> memref<64x128xf32, #tpu.memory_space<hbm>>
      tpu.enqueue_dma source(%dma_start3A_83 : memref<64x128xf32, #tpu.memory_space<hbm>>) target(%dma_start3A_81 : memref<64x128xf32, #tpu.memory_space<vmem>>) target_semaphore(%arg16 : memref<!tpu.dma_semaphore, #tpu.memory_space<semaphore_mem>>)
    } else {
    }
    %while3A = arith.constant 0 : i32
    %while3A_58 = arith.constant 0 : i32
    %while3A_59 = arith.constant 0 : i32
    %while3A_60 = arith.subi %select_n3A, %while3A : i32
    %while3A_61 = arith.addi %while3A, %while3A_60 : i32
    %while3A_62 = arith.constant 1 : i32
    %while3A_63 = arith.divsi %while3A_60, %while3A_62 : i32
    %while3A_64 = arith.muli %while3A_63, %while3A_62 : i32
    %while3A_65 = arith.addi %while3A, %while3A_64 : i32
    %while3A_66 = arith.constant 1 : i32
    %while3A_67:2 = scf.for %while3A_70 = %while3A to %while3A_65 step %while3A_66 iter_args(%while3A_71 = %while3A_58, %while3A_72 = %while3A_59) -> (i32, i32)  : i32 {
      %mul3A_73 = arith.constant 5 : i32
      %mul3A_74 = arith.muli %while3A_70, %mul3A_73 : i32
      %add3A_75 = arith.constant 0 : i32
      %add3A_76 = arith.addi %mul3A_74, %add3A_75 : i32
      %lt3A = arith.cmpi slt, %add3A_76, %scan3A_11 : i32
      %convert_element_type3A_77 = arith.extui %lt3A : i1 to i32
      %cond3A_78 = arith.constant 0 : i32
      %cond3A_79 = arith.cmpi ne, %convert_element_type3A_77, %cond3A_78 : i32
      scf.if %cond3A_79 {
        %dma_wait3A = arith.constant 0 : i32
        %dma_wait3A_152 = arith.constant 0 : i32
        %dma_wait3A_153 = arith.constant 0 : i32
        %dma_wait3A_154 = tpu.memref_slice %arg10[%dma_wait3A, %dma_wait3A_152, %dma_wait3A_153] : memref<10x64x128xf32, #tpu.memory_space<vmem>> -> memref<1x64x128xf32, #tpu.memory_space<vmem>>
        %dma_wait3A_155 = tpu.memref_squeeze %dma_wait3A_154 : memref<1x64x128xf32, #tpu.memory_space<vmem>> -> memref<64x128xf32, #tpu.memory_space<vmem>>
        %dma_wait3A_156 = arith.constant 0 : i32
        %dma_wait3A_157 = arith.constant 0 : i32
        %dma_wait3A_158 = tpu.memref_slice %arg2[%dma_wait3A_156, %dma_wait3A_157] : memref<64x1000000xf32, #tpu.memory_space<hbm>> -> memref<64x128xf32, #tpu.memory_space<hbm>>
        %dma_wait3A_159 = arith.constant 0 : i32
        %dma_wait3A_160 = arith.constant 0 : i32
        %dma_wait3A_161 = tpu.memref_slice %arg10[%dma_wait3A, %dma_wait3A_159, %dma_wait3A_160] : memref<10x64x128xf32, #tpu.memory_space<vmem>> -> memref<1x64x128xf32, #tpu.memory_space<vmem>>
        %dma_wait3A_162 = tpu.memref_squeeze %dma_wait3A_161 : memref<1x64x128xf32, #tpu.memory_space<vmem>> -> memref<64x128xf32, #tpu.memory_space<vmem>>
        %dma_wait3A_163 = arith.constant 0 : i32
        %dma_wait3A_164 = arith.constant 0 : i32
        %dma_wait3A_165 = tpu.memref_slice %arg2[%dma_wait3A_163, %dma_wait3A_164] : memref<64x1000000xf32, #tpu.memory_space<hbm>> -> memref<64x128xf32, #tpu.memory_space<hbm>>
        tpu.wait_dma2 semaphore(%arg12 : memref<!tpu.dma_semaphore, #tpu.memory_space<semaphore_mem>>) src(%dma_wait3A_165 : memref<64x128xf32, #tpu.memory_space<hbm>>) dst(%dma_wait3A_162 : memref<64x128xf32, #tpu.memory_space<vmem>>)
      } else {
      }
      %mul3A_80 = arith.constant 5 : i32
      %mul3A_81 = arith.muli %while3A_70, %mul3A_80 : i32
      %add3A_82 = arith.constant 1 : i32
      %add3A_83 = arith.addi %mul3A_81, %add3A_82 : i32
      %lt3A_84 = arith.cmpi slt, %add3A_83, %scan3A_11 : i32
      %convert_element_type3A_85 = arith.extui %lt3A_84 : i1 to i32
      %cond3A_86 = arith.constant 0 : i32
      %cond3A_87 = arith.cmpi ne, %convert_element_type3A_85, %cond3A_86 : i32
      scf.if %cond3A_87 {
        %dma_wait3A = arith.constant 1 : i32
        %dma_wait3A_152 = arith.constant 0 : i32
        %dma_wait3A_153 = arith.constant 0 : i32
        %dma_wait3A_154 = tpu.memref_slice %arg10[%dma_wait3A, %dma_wait3A_152, %dma_wait3A_153] : memref<10x64x128xf32, #tpu.memory_space<vmem>> -> memref<1x64x128xf32, #tpu.memory_space<vmem>>
        %dma_wait3A_155 = tpu.memref_squeeze %dma_wait3A_154 : memref<1x64x128xf32, #tpu.memory_space<vmem>> -> memref<64x128xf32, #tpu.memory_space<vmem>>
        %dma_wait3A_156 = arith.constant 0 : i32
        %dma_wait3A_157 = arith.constant 0 : i32
        %dma_wait3A_158 = tpu.memref_slice %arg2[%dma_wait3A_156, %dma_wait3A_157] : memref<64x1000000xf32, #tpu.memory_space<hbm>> -> memref<64x128xf32, #tpu.memory_space<hbm>>
        %dma_wait3A_159 = arith.constant 0 : i32
        %dma_wait3A_160 = arith.constant 0 : i32
        %dma_wait3A_161 = tpu.memref_slice %arg10[%dma_wait3A, %dma_wait3A_159, %dma_wait3A_160] : memref<10x64x128xf32, #tpu.memory_space<vmem>> -> memref<1x64x128xf32, #tpu.memory_space<vmem>>
        %dma_wait3A_162 = tpu.memref_squeeze %dma_wait3A_161 : memref<1x64x128xf32, #tpu.memory_space<vmem>> -> memref<64x128xf32, #tpu.memory_space<vmem>>
        %dma_wait3A_163 = arith.constant 0 : i32
        %dma_wait3A_164 = arith.constant 0 : i32
        %dma_wait3A_165 = tpu.memref_slice %arg2[%dma_wait3A_163, %dma_wait3A_164] : memref<64x1000000xf32, #tpu.memory_space<hbm>> -> memref<64x128xf32, #tpu.memory_space<hbm>>
        tpu.wait_dma2 semaphore(%arg13 : memref<!tpu.dma_semaphore, #tpu.memory_space<semaphore_mem>>) src(%dma_wait3A_165 : memref<64x128xf32, #tpu.memory_space<hbm>>) dst(%dma_wait3A_162 : memref<64x128xf32, #tpu.memory_space<vmem>>)
      } else {
      }
      %mul3A_88 = arith.constant 5 : i32
      %mul3A_89 = arith.muli %while3A_70, %mul3A_88 : i32
      %add3A_90 = arith.constant 2 : i32
      %add3A_91 = arith.addi %mul3A_89, %add3A_90 : i32
      %lt3A_92 = arith.cmpi slt, %add3A_91, %scan3A_11 : i32
      %convert_element_type3A_93 = arith.extui %lt3A_92 : i1 to i32
      %cond3A_94 = arith.constant 0 : i32
      %cond3A_95 = arith.cmpi ne, %convert_element_type3A_93, %cond3A_94 : i32
      scf.if %cond3A_95 {
        %dma_wait3A = arith.constant 2 : i32
        %dma_wait3A_152 = arith.constant 0 : i32
        %dma_wait3A_153 = arith.constant 0 : i32
        %dma_wait3A_154 = tpu.memref_slice %arg10[%dma_wait3A, %dma_wait3A_152, %dma_wait3A_153] : memref<10x64x128xf32, #tpu.memory_space<vmem>> -> memref<1x64x128xf32, #tpu.memory_space<vmem>>
        %dma_wait3A_155 = tpu.memref_squeeze %dma_wait3A_154 : memref<1x64x128xf32, #tpu.memory_space<vmem>> -> memref<64x128xf32, #tpu.memory_space<vmem>>
        %dma_wait3A_156 = arith.constant 0 : i32
        %dma_wait3A_157 = arith.constant 0 : i32
        %dma_wait3A_158 = tpu.memref_slice %arg2[%dma_wait3A_156, %dma_wait3A_157] : memref<64x1000000xf32, #tpu.memory_space<hbm>> -> memref<64x128xf32, #tpu.memory_space<hbm>>
        %dma_wait3A_159 = arith.constant 0 : i32
        %dma_wait3A_160 = arith.constant 0 : i32
        %dma_wait3A_161 = tpu.memref_slice %arg10[%dma_wait3A, %dma_wait3A_159, %dma_wait3A_160] : memref<10x64x128xf32, #tpu.memory_space<vmem>> -> memref<1x64x128xf32, #tpu.memory_space<vmem>>
        %dma_wait3A_162 = tpu.memref_squeeze %dma_wait3A_161 : memref<1x64x128xf32, #tpu.memory_space<vmem>> -> memref<64x128xf32, #tpu.memory_space<vmem>>
        %dma_wait3A_163 = arith.constant 0 : i32
        %dma_wait3A_164 = arith.constant 0 : i32
        %dma_wait3A_165 = tpu.memref_slice %arg2[%dma_wait3A_163, %dma_wait3A_164] : memref<64x1000000xf32, #tpu.memory_space<hbm>> -> memref<64x128xf32, #tpu.memory_space<hbm>>
        tpu.wait_dma2 semaphore(%arg14 : memref<!tpu.dma_semaphore, #tpu.memory_space<semaphore_mem>>) src(%dma_wait3A_165 : memref<64x128xf32, #tpu.memory_space<hbm>>) dst(%dma_wait3A_162 : memref<64x128xf32, #tpu.memory_space<vmem>>)
      } else {
      }
      %mul3A_96 = arith.constant 5 : i32
      %mul3A_97 = arith.muli %while3A_70, %mul3A_96 : i32
      %add3A_98 = arith.constant 3 : i32
      %add3A_99 = arith.addi %mul3A_97, %add3A_98 : i32
      %lt3A_100 = arith.cmpi slt, %add3A_99, %scan3A_11 : i32
      %convert_element_type3A_101 = arith.extui %lt3A_100 : i1 to i32
      %cond3A_102 = arith.constant 0 : i32
      %cond3A_103 = arith.cmpi ne, %convert_element_type3A_101, %cond3A_102 : i32
      scf.if %cond3A_103 {
        %dma_wait3A = arith.constant 3 : i32
        %dma_wait3A_152 = arith.constant 0 : i32
        %dma_wait3A_153 = arith.constant 0 : i32
        %dma_wait3A_154 = tpu.memref_slice %arg10[%dma_wait3A, %dma_wait3A_152, %dma_wait3A_153] : memref<10x64x128xf32, #tpu.memory_space<vmem>> -> memref<1x64x128xf32, #tpu.memory_space<vmem>>
        %dma_wait3A_155 = tpu.memref_squeeze %dma_wait3A_154 : memref<1x64x128xf32, #tpu.memory_space<vmem>> -> memref<64x128xf32, #tpu.memory_space<vmem>>
        %dma_wait3A_156 = arith.constant 0 : i32
        %dma_wait3A_157 = arith.constant 0 : i32
        %dma_wait3A_158 = tpu.memref_slice %arg2[%dma_wait3A_156, %dma_wait3A_157] : memref<64x1000000xf32, #tpu.memory_space<hbm>> -> memref<64x128xf32, #tpu.memory_space<hbm>>
        %dma_wait3A_159 = arith.constant 0 : i32
        %dma_wait3A_160 = arith.constant 0 : i32
        %dma_wait3A_161 = tpu.memref_slice %arg10[%dma_wait3A, %dma_wait3A_159, %dma_wait3A_160] : memref<10x64x128xf32, #tpu.memory_space<vmem>> -> memref<1x64x128xf32, #tpu.memory_space<vmem>>
        %dma_wait3A_162 = tpu.memref_squeeze %dma_wait3A_161 : memref<1x64x128xf32, #tpu.memory_space<vmem>> -> memref<64x128xf32, #tpu.memory_space<vmem>>
        %dma_wait3A_163 = arith.constant 0 : i32
        %dma_wait3A_164 = arith.constant 0 : i32
        %dma_wait3A_165 = tpu.memref_slice %arg2[%dma_wait3A_163, %dma_wait3A_164] : memref<64x1000000xf32, #tpu.memory_space<hbm>> -> memref<64x128xf32, #tpu.memory_space<hbm>>
        tpu.wait_dma2 semaphore(%arg15 : memref<!tpu.dma_semaphore, #tpu.memory_space<semaphore_mem>>) src(%dma_wait3A_165 : memref<64x128xf32, #tpu.memory_space<hbm>>) dst(%dma_wait3A_162 : memref<64x128xf32, #tpu.memory_space<vmem>>)
      } else {
      }
      %mul3A_104 = arith.constant 5 : i32
      %mul3A_105 = arith.muli %while3A_70, %mul3A_104 : i32
      %add3A_106 = arith.constant 4 : i32
      %add3A_107 = arith.addi %mul3A_105, %add3A_106 : i32
      %lt3A_108 = arith.cmpi slt, %add3A_107, %scan3A_11 : i32
      %convert_element_type3A_109 = arith.extui %lt3A_108 : i1 to i32
      %cond3A_110 = arith.constant 0 : i32
      %cond3A_111 = arith.cmpi ne, %convert_element_type3A_109, %cond3A_110 : i32
      scf.if %cond3A_111 {
        %dma_wait3A = arith.constant 4 : i32
        %dma_wait3A_152 = arith.constant 0 : i32
        %dma_wait3A_153 = arith.constant 0 : i32
        %dma_wait3A_154 = tpu.memref_slice %arg10[%dma_wait3A, %dma_wait3A_152, %dma_wait3A_153] : memref<10x64x128xf32, #tpu.memory_space<vmem>> -> memref<1x64x128xf32, #tpu.memory_space<vmem>>
        %dma_wait3A_155 = tpu.memref_squeeze %dma_wait3A_154 : memref<1x64x128xf32, #tpu.memory_space<vmem>> -> memref<64x128xf32, #tpu.memory_space<vmem>>
        %dma_wait3A_156 = arith.constant 0 : i32
        %dma_wait3A_157 = arith.constant 0 : i32
        %dma_wait3A_158 = tpu.memref_slice %arg2[%dma_wait3A_156, %dma_wait3A_157] : memref<64x1000000xf32, #tpu.memory_space<hbm>> -> memref<64x128xf32, #tpu.memory_space<hbm>>
        %dma_wait3A_159 = arith.constant 0 : i32
        %dma_wait3A_160 = arith.constant 0 : i32
        %dma_wait3A_161 = tpu.memref_slice %arg10[%dma_wait3A, %dma_wait3A_159, %dma_wait3A_160] : memref<10x64x128xf32, #tpu.memory_space<vmem>> -> memref<1x64x128xf32, #tpu.memory_space<vmem>>
        %dma_wait3A_162 = tpu.memref_squeeze %dma_wait3A_161 : memref<1x64x128xf32, #tpu.memory_space<vmem>> -> memref<64x128xf32, #tpu.memory_space<vmem>>
        %dma_wait3A_163 = arith.constant 0 : i32
        %dma_wait3A_164 = arith.constant 0 : i32
        %dma_wait3A_165 = tpu.memref_slice %arg2[%dma_wait3A_163, %dma_wait3A_164] : memref<64x1000000xf32, #tpu.memory_space<hbm>> -> memref<64x128xf32, #tpu.memory_space<hbm>>
        tpu.wait_dma2 semaphore(%arg16 : memref<!tpu.dma_semaphore, #tpu.memory_space<semaphore_mem>>) src(%dma_wait3A_165 : memref<64x128xf32, #tpu.memory_space<hbm>>) dst(%dma_wait3A_162 : memref<64x128xf32, #tpu.memory_space<vmem>>)
      } else {
      }
      %add3A_112 = arith.constant 1 : i32
      %add3A_113 = arith.addi %while3A_70, %add3A_112 : i32
      %lt3A_114 = arith.cmpi slt, %add3A_113, %select_n3A : i32
      %convert_element_type3A_115 = arith.extui %lt3A_114 : i1 to i32
      %cond3A_116 = arith.constant 0 : i32
      %cond3A_117 = arith.cmpi ne, %convert_element_type3A_115, %cond3A_116 : i32
      scf.if %cond3A_117 {
        %add3A_152 = arith.constant 1 : i32
        %add3A_153 = arith.addi %while3A_70, %add3A_152 : i32
        %mul3A_154 = arith.constant 5 : i32
        %mul3A_155 = arith.muli %add3A_153, %mul3A_154 : i32
        %add3A_156 = vector.broadcast %mul3A_155 : i32 to vector<16xi32>
        %add3A_157 = arith.addi %iota3A, %add3A_156 : vector<16xi32>
        %gather3A_158 = tpu.vector_load_idx %arg8[%add3A_157] : memref<528xi32, #tpu.memory_space<vmem>>[vector<16xi32>], vector<16xi32>,
        %jit3A_159 = arith.constant 2 : i32
        %div3A_160 = arith.divsi %add3A_153, %jit3A_159 : i32
        %sign3A_161 = arith.constant 0 : i32
        %sign3A_162 = arith.cmpi sgt, %add3A_153, %sign3A_161 : i32
        %sign3A_163 = arith.extui %sign3A_162 : i1 to i32
        %sign3A_164 = arith.constant 0 : i32
        %sign3A_165 = arith.cmpi slt, %add3A_153, %sign3A_164 : i32
        %sign3A_166 = arith.extui %sign3A_165 : i1 to i32
        %sign3A_167 = arith.subi %sign3A_163, %sign3A_166 : i32
        %sign3A_168 = arith.constant 0 : i32
        %sign3A_169 = arith.cmpi sgt, %jit3A_159, %sign3A_168 : i32
        %sign3A_170 = arith.extui %sign3A_169 : i1 to i32
        %sign3A_171 = arith.constant 0 : i32
        %sign3A_172 = arith.cmpi slt, %jit3A_159, %sign3A_171 : i32
        %sign3A_173 = arith.extui %sign3A_172 : i1 to i32
        %sign3A_174 = arith.subi %sign3A_170, %sign3A_173 : i32
        %ne3A_175 = arith.cmpi ne, %sign3A_167, %sign3A_174 : i32
        %rem3A_176 = arith.remsi %add3A_153, %jit3A_159 : i32
        %ne3A_177 = arith.constant 0 : i32
        %ne3A_178 = arith.cmpi ne, %rem3A_176, %ne3A_177 : i32
        %and3A_179 = arith.andi %ne3A_175, %ne3A_178 : i1
        %sub3A_180 = arith.constant 1 : i32
        %sub3A_181 = arith.subi %div3A_160, %sub3A_180 : i32
        %select_n3A_182 = arith.select %and3A_179, %sub3A_181, %div3A_160 : i32
        %mul3A_183 = arith.constant 2 : i32
        %mul3A_184 = arith.muli %select_n3A_182, %mul3A_183 : i32
        %sub3A_185 = arith.subi %add3A_153, %mul3A_184 : i32
        %eq3A = arith.constant 0 : i32
        %eq3A_186 = arith.cmpi eq, %sub3A_185, %eq3A : i32
        %convert_element_type3A_187 = arith.extui %eq3A_186 : i1 to i32
        %cond3A_188 = arith.constant 0 : i32
        %cond3A_189 = arith.cmpi ne, %convert_element_type3A_187, %cond3A_188 : i32
        scf.if %cond3A_189 {
          %mul3A_195 = arith.constant 5 : i32
          %mul3A_196 = arith.muli %add3A_153, %mul3A_195 : i32
          %add3A_197 = arith.constant 0 : i32
          %add3A_198 = arith.addi %mul3A_196, %add3A_197 : i32
          %lt3A_199 = arith.cmpi slt, %add3A_198, %scan3A_11 : i32
          %convert_element_type3A_200 = arith.extui %lt3A_199 : i1 to i32
          %cond3A_201 = arith.constant 0 : i32
          %cond3A_202 = arith.cmpi ne, %convert_element_type3A_200, %cond3A_201 : i32
          scf.if %cond3A_202 {
            %slice3A = vector.extract_strided_slice %gather3A_158 {offsets = [0], sizes = [1], strides = [1]} : vector<16xi32> to vector<1xi32>
            %squeeze3A = vector.extract %slice3A[0] : i32 from vector<1xi32>
            %mul3A_235 = arith.constant 128 : i32
            %mul3A_236 = arith.muli %squeeze3A, %mul3A_235 : i32
            %multiple_of3A = tpu.assume_multiple %mul3A_236, 128 : i32
            %dma_start3A = arith.constant 0 : i32
            %dma_start3A_237 = arith.constant 0 : i32
            %dma_start3A_238 = arith.constant 0 : i32
            %dma_start3A_239 = tpu.memref_slice %arg10[%dma_start3A, %dma_start3A_237, %dma_start3A_238] : memref<10x64x128xf32, #tpu.memory_space<vmem>> -> memref<1x64x128xf32, #tpu.memory_space<vmem>>
            %dma_start3A_240 = tpu.memref_squeeze %dma_start3A_239 : memref<1x64x128xf32, #tpu.memory_space<vmem>> -> memref<64x128xf32, #tpu.memory_space<vmem>>
            %dma_start3A_241 = arith.constant 0 : i32
            %dma_start3A_242 = tpu.memref_slice %arg2[%dma_start3A_241, %multiple_of3A] : memref<64x1000000xf32, #tpu.memory_space<hbm>> -> memref<64x128xf32, #tpu.memory_space<hbm>>
            %dma_start3A_243 = arith.constant 0 : i32
            %dma_start3A_244 = arith.constant 0 : i32
            %dma_start3A_245 = tpu.memref_slice %arg10[%dma_start3A, %dma_start3A_243, %dma_start3A_244] : memref<10x64x128xf32, #tpu.memory_space<vmem>> -> memref<1x64x128xf32, #tpu.memory_space<vmem>>
            %dma_start3A_246 = tpu.memref_squeeze %dma_start3A_245 : memref<1x64x128xf32, #tpu.memory_space<vmem>> -> memref<64x128xf32, #tpu.memory_space<vmem>>
            %dma_start3A_247 = arith.constant 0 : i32
            %dma_start3A_248 = tpu.memref_slice %arg2[%dma_start3A_247, %multiple_of3A] : memref<64x1000000xf32, #tpu.memory_space<hbm>> -> memref<64x128xf32, #tpu.memory_space<hbm>>
            tpu.enqueue_dma source(%dma_start3A_248 : memref<64x128xf32, #tpu.memory_space<hbm>>) target(%dma_start3A_246 : memref<64x128xf32, #tpu.memory_space<vmem>>) target_semaphore(%arg12 : memref<!tpu.dma_semaphore, #tpu.memory_space<semaphore_mem>>)
          } else {
          }
          %mul3A_203 = arith.constant 5 : i32
          %mul3A_204 = arith.muli %add3A_153, %mul3A_203 : i32
          %add3A_205 = arith.constant 1 : i32
          %add3A_206 = arith.addi %mul3A_204, %add3A_205 : i32
          %lt3A_207 = arith.cmpi slt, %add3A_206, %scan3A_11 : i32
          %convert_element_type3A_208 = arith.extui %lt3A_207 : i1 to i32
          %cond3A_209 = arith.constant 0 : i32
          %cond3A_210 = arith.cmpi ne, %convert_element_type3A_208, %cond3A_209 : i32
          scf.if %cond3A_210 {
            %slice3A = vector.extract_strided_slice %gather3A_158 {offsets = [1], sizes = [1], strides = [1]} : vector<16xi32> to vector<1xi32>
            %squeeze3A = vector.extract %slice3A[0] : i32 from vector<1xi32>
            %mul3A_235 = arith.constant 128 : i32
            %mul3A_236 = arith.muli %squeeze3A, %mul3A_235 : i32
            %multiple_of3A = tpu.assume_multiple %mul3A_236, 128 : i32
            %dma_start3A = arith.constant 1 : i32
            %dma_start3A_237 = arith.constant 0 : i32
            %dma_start3A_238 = arith.constant 0 : i32
            %dma_start3A_239 = tpu.memref_slice %arg10[%dma_start3A, %dma_start3A_237, %dma_start3A_238] : memref<10x64x128xf32, #tpu.memory_space<vmem>> -> memref<1x64x128xf32, #tpu.memory_space<vmem>>
            %dma_start3A_240 = tpu.memref_squeeze %dma_start3A_239 : memref<1x64x128xf32, #tpu.memory_space<vmem>> -> memref<64x128xf32, #tpu.memory_space<vmem>>
            %dma_start3A_241 = arith.constant 0 : i32
            %dma_start3A_242 = tpu.memref_slice %arg2[%dma_start3A_241, %multiple_of3A] : memref<64x1000000xf32, #tpu.memory_space<hbm>> -> memref<64x128xf32, #tpu.memory_space<hbm>>
            %dma_start3A_243 = arith.constant 0 : i32
            %dma_start3A_244 = arith.constant 0 : i32
            %dma_start3A_245 = tpu.memref_slice %arg10[%dma_start3A, %dma_start3A_243, %dma_start3A_244] : memref<10x64x128xf32, #tpu.memory_space<vmem>> -> memref<1x64x128xf32, #tpu.memory_space<vmem>>
            %dma_start3A_246 = tpu.memref_squeeze %dma_start3A_245 : memref<1x64x128xf32, #tpu.memory_space<vmem>> -> memref<64x128xf32, #tpu.memory_space<vmem>>
            %dma_start3A_247 = arith.constant 0 : i32
            %dma_start3A_248 = tpu.memref_slice %arg2[%dma_start3A_247, %multiple_of3A] : memref<64x1000000xf32, #tpu.memory_space<hbm>> -> memref<64x128xf32, #tpu.memory_space<hbm>>
            tpu.enqueue_dma source(%dma_start3A_248 : memref<64x128xf32, #tpu.memory_space<hbm>>) target(%dma_start3A_246 : memref<64x128xf32, #tpu.memory_space<vmem>>) target_semaphore(%arg13 : memref<!tpu.dma_semaphore, #tpu.memory_space<semaphore_mem>>)
          } else {
          }
          %mul3A_211 = arith.constant 5 : i32
          %mul3A_212 = arith.muli %add3A_153, %mul3A_211 : i32
          %add3A_213 = arith.constant 2 : i32
          %add3A_214 = arith.addi %mul3A_212, %add3A_213 : i32
          %lt3A_215 = arith.cmpi slt, %add3A_214, %scan3A_11 : i32
          %convert_element_type3A_216 = arith.extui %lt3A_215 : i1 to i32
          %cond3A_217 = arith.constant 0 : i32
          %cond3A_218 = arith.cmpi ne, %convert_element_type3A_216, %cond3A_217 : i32
          scf.if %cond3A_218 {
            %slice3A = vector.extract_strided_slice %gather3A_158 {offsets = [2], sizes = [1], strides = [1]} : vector<16xi32> to vector<1xi32>
            %squeeze3A = vector.extract %slice3A[0] : i32 from vector<1xi32>
            %mul3A_235 = arith.constant 128 : i32
            %mul3A_236 = arith.muli %squeeze3A, %mul3A_235 : i32
            %multiple_of3A = tpu.assume_multiple %mul3A_236, 128 : i32
            %dma_start3A = arith.constant 2 : i32
            %dma_start3A_237 = arith.constant 0 : i32
            %dma_start3A_238 = arith.constant 0 : i32
            %dma_start3A_239 = tpu.memref_slice %arg10[%dma_start3A, %dma_start3A_237, %dma_start3A_238] : memref<10x64x128xf32, #tpu.memory_space<vmem>> -> memref<1x64x128xf32, #tpu.memory_space<vmem>>
            %dma_start3A_240 = tpu.memref_squeeze %dma_start3A_239 : memref<1x64x128xf32, #tpu.memory_space<vmem>> -> memref<64x128xf32, #tpu.memory_space<vmem>>
            %dma_start3A_241 = arith.constant 0 : i32
            %dma_start3A_242 = tpu.memref_slice %arg2[%dma_start3A_241, %multiple_of3A] : memref<64x1000000xf32, #tpu.memory_space<hbm>> -> memref<64x128xf32, #tpu.memory_space<hbm>>
            %dma_start3A_243 = arith.constant 0 : i32
            %dma_start3A_244 = arith.constant 0 : i32
            %dma_start3A_245 = tpu.memref_slice %arg10[%dma_start3A, %dma_start3A_243, %dma_start3A_244] : memref<10x64x128xf32, #tpu.memory_space<vmem>> -> memref<1x64x128xf32, #tpu.memory_space<vmem>>
            %dma_start3A_246 = tpu.memref_squeeze %dma_start3A_245 : memref<1x64x128xf32, #tpu.memory_space<vmem>> -> memref<64x128xf32, #tpu.memory_space<vmem>>
            %dma_start3A_247 = arith.constant 0 : i32
            %dma_start3A_248 = tpu.memref_slice %arg2[%dma_start3A_247, %multiple_of3A] : memref<64x1000000xf32, #tpu.memory_space<hbm>> -> memref<64x128xf32, #tpu.memory_space<hbm>>
            tpu.enqueue_dma source(%dma_start3A_248 : memref<64x128xf32, #tpu.memory_space<hbm>>) target(%dma_start3A_246 : memref<64x128xf32, #tpu.memory_space<vmem>>) target_semaphore(%arg14 : memref<!tpu.dma_semaphore, #tpu.memory_space<semaphore_mem>>)
          } else {
          }
          %mul3A_219 = arith.constant 5 : i32
          %mul3A_220 = arith.muli %add3A_153, %mul3A_219 : i32
          %add3A_221 = arith.constant 3 : i32
          %add3A_222 = arith.addi %mul3A_220, %add3A_221 : i32
          %lt3A_223 = arith.cmpi slt, %add3A_222, %scan3A_11 : i32
          %convert_element_type3A_224 = arith.extui %lt3A_223 : i1 to i32
          %cond3A_225 = arith.constant 0 : i32
          %cond3A_226 = arith.cmpi ne, %convert_element_type3A_224, %cond3A_225 : i32
          scf.if %cond3A_226 {
            %slice3A = vector.extract_strided_slice %gather3A_158 {offsets = [3], sizes = [1], strides = [1]} : vector<16xi32> to vector<1xi32>
            %squeeze3A = vector.extract %slice3A[0] : i32 from vector<1xi32>
            %mul3A_235 = arith.constant 128 : i32
            %mul3A_236 = arith.muli %squeeze3A, %mul3A_235 : i32
            %multiple_of3A = tpu.assume_multiple %mul3A_236, 128 : i32
            %dma_start3A = arith.constant 3 : i32
            %dma_start3A_237 = arith.constant 0 : i32
            %dma_start3A_238 = arith.constant 0 : i32
            %dma_start3A_239 = tpu.memref_slice %arg10[%dma_start3A, %dma_start3A_237, %dma_start3A_238] : memref<10x64x128xf32, #tpu.memory_space<vmem>> -> memref<1x64x128xf32, #tpu.memory_space<vmem>>
            %dma_start3A_240 = tpu.memref_squeeze %dma_start3A_239 : memref<1x64x128xf32, #tpu.memory_space<vmem>> -> memref<64x128xf32, #tpu.memory_space<vmem>>
            %dma_start3A_241 = arith.constant 0 : i32
            %dma_start3A_242 = tpu.memref_slice %arg2[%dma_start3A_241, %multiple_of3A] : memref<64x1000000xf32, #tpu.memory_space<hbm>> -> memref<64x128xf32, #tpu.memory_space<hbm>>
            %dma_start3A_243 = arith.constant 0 : i32
            %dma_start3A_244 = arith.constant 0 : i32
            %dma_start3A_245 = tpu.memref_slice %arg10[%dma_start3A, %dma_start3A_243, %dma_start3A_244] : memref<10x64x128xf32, #tpu.memory_space<vmem>> -> memref<1x64x128xf32, #tpu.memory_space<vmem>>
            %dma_start3A_246 = tpu.memref_squeeze %dma_start3A_245 : memref<1x64x128xf32, #tpu.memory_space<vmem>> -> memref<64x128xf32, #tpu.memory_space<vmem>>
            %dma_start3A_247 = arith.constant 0 : i32
            %dma_start3A_248 = tpu.memref_slice %arg2[%dma_start3A_247, %multiple_of3A] : memref<64x1000000xf32, #tpu.memory_space<hbm>> -> memref<64x128xf32, #tpu.memory_space<hbm>>
            tpu.enqueue_dma source(%dma_start3A_248 : memref<64x128xf32, #tpu.memory_space<hbm>>) target(%dma_start3A_246 : memref<64x128xf32, #tpu.memory_space<vmem>>) target_semaphore(%arg15 : memref<!tpu.dma_semaphore, #tpu.memory_space<semaphore_mem>>)
          } else {
          }
          %mul3A_227 = arith.constant 5 : i32
          %mul3A_228 = arith.muli %add3A_153, %mul3A_227 : i32
          %add3A_229 = arith.constant 4 : i32
          %add3A_230 = arith.addi %mul3A_228, %add3A_229 : i32
          %lt3A_231 = arith.cmpi slt, %add3A_230, %scan3A_11 : i32
          %convert_element_type3A_232 = arith.extui %lt3A_231 : i1 to i32
          %cond3A_233 = arith.constant 0 : i32
          %cond3A_234 = arith.cmpi ne, %convert_element_type3A_232, %cond3A_233 : i32
          scf.if %cond3A_234 {
            %slice3A = vector.extract_strided_slice %gather3A_158 {offsets = [4], sizes = [1], strides = [1]} : vector<16xi32> to vector<1xi32>
            %squeeze3A = vector.extract %slice3A[0] : i32 from vector<1xi32>
            %mul3A_235 = arith.constant 128 : i32
            %mul3A_236 = arith.muli %squeeze3A, %mul3A_235 : i32
            %multiple_of3A = tpu.assume_multiple %mul3A_236, 128 : i32
            %dma_start3A = arith.constant 4 : i32
            %dma_start3A_237 = arith.constant 0 : i32
            %dma_start3A_238 = arith.constant 0 : i32
            %dma_start3A_239 = tpu.memref_slice %arg10[%dma_start3A, %dma_start3A_237, %dma_start3A_238] : memref<10x64x128xf32, #tpu.memory_space<vmem>> -> memref<1x64x128xf32, #tpu.memory_space<vmem>>
            %dma_start3A_240 = tpu.memref_squeeze %dma_start3A_239 : memref<1x64x128xf32, #tpu.memory_space<vmem>> -> memref<64x128xf32, #tpu.memory_space<vmem>>
            %dma_start3A_241 = arith.constant 0 : i32
            %dma_start3A_242 = tpu.memref_slice %arg2[%dma_start3A_241, %multiple_of3A] : memref<64x1000000xf32, #tpu.memory_space<hbm>> -> memref<64x128xf32, #tpu.memory_space<hbm>>
            %dma_start3A_243 = arith.constant 0 : i32
            %dma_start3A_244 = arith.constant 0 : i32
            %dma_start3A_245 = tpu.memref_slice %arg10[%dma_start3A, %dma_start3A_243, %dma_start3A_244] : memref<10x64x128xf32, #tpu.memory_space<vmem>> -> memref<1x64x128xf32, #tpu.memory_space<vmem>>
            %dma_start3A_246 = tpu.memref_squeeze %dma_start3A_245 : memref<1x64x128xf32, #tpu.memory_space<vmem>> -> memref<64x128xf32, #tpu.memory_space<vmem>>
            %dma_start3A_247 = arith.constant 0 : i32
            %dma_start3A_248 = tpu.memref_slice %arg2[%dma_start3A_247, %multiple_of3A] : memref<64x1000000xf32, #tpu.memory_space<hbm>> -> memref<64x128xf32, #tpu.memory_space<hbm>>
            tpu.enqueue_dma source(%dma_start3A_248 : memref<64x128xf32, #tpu.memory_space<hbm>>) target(%dma_start3A_246 : memref<64x128xf32, #tpu.memory_space<vmem>>) target_semaphore(%arg16 : memref<!tpu.dma_semaphore, #tpu.memory_space<semaphore_mem>>)
          } else {
          }
        } else {
        }
        %eq3A_190 = arith.constant 1 : i32
        %eq3A_191 = arith.cmpi eq, %sub3A_185, %eq3A_190 : i32
        %convert_element_type3A_192 = arith.extui %eq3A_191 : i1 to i32
        %cond3A_193 = arith.constant 0 : i32
        %cond3A_194 = arith.cmpi ne, %convert_element_type3A_192, %cond3A_193 : i32
        scf.if %cond3A_194 {
          %mul3A_195 = arith.constant 5 : i32
          %mul3A_196 = arith.muli %add3A_153, %mul3A_195 : i32
          %add3A_197 = arith.constant 0 : i32
          %add3A_198 = arith.addi %mul3A_196, %add3A_197 : i32
          %lt3A_199 = arith.cmpi slt, %add3A_198, %scan3A_11 : i32
          %convert_element_type3A_200 = arith.extui %lt3A_199 : i1 to i32
          %cond3A_201 = arith.constant 0 : i32
          %cond3A_202 = arith.cmpi ne, %convert_element_type3A_200, %cond3A_201 : i32
          scf.if %cond3A_202 {
            %slice3A = vector.extract_strided_slice %gather3A_158 {offsets = [0], sizes = [1], strides = [1]} : vector<16xi32> to vector<1xi32>
            %squeeze3A = vector.extract %slice3A[0] : i32 from vector<1xi32>
            %mul3A_235 = arith.constant 128 : i32
            %mul3A_236 = arith.muli %squeeze3A, %mul3A_235 : i32
            %multiple_of3A = tpu.assume_multiple %mul3A_236, 128 : i32
            %dma_start3A = arith.constant 5 : i32
            %dma_start3A_237 = arith.constant 0 : i32
            %dma_start3A_238 = arith.constant 0 : i32
            %dma_start3A_239 = tpu.memref_slice %arg10[%dma_start3A, %dma_start3A_237, %dma_start3A_238] : memref<10x64x128xf32, #tpu.memory_space<vmem>> -> memref<1x64x128xf32, #tpu.memory_space<vmem>>
            %dma_start3A_240 = tpu.memref_squeeze %dma_start3A_239 : memref<1x64x128xf32, #tpu.memory_space<vmem>> -> memref<64x128xf32, #tpu.memory_space<vmem>>
            %dma_start3A_241 = arith.constant 0 : i32
            %dma_start3A_242 = tpu.memref_slice %arg2[%dma_start3A_241, %multiple_of3A] : memref<64x1000000xf32, #tpu.memory_space<hbm>> -> memref<64x128xf32, #tpu.memory_space<hbm>>
            %dma_start3A_243 = arith.constant 0 : i32
            %dma_start3A_244 = arith.constant 0 : i32
            %dma_start3A_245 = tpu.memref_slice %arg10[%dma_start3A, %dma_start3A_243, %dma_start3A_244] : memref<10x64x128xf32, #tpu.memory_space<vmem>> -> memref<1x64x128xf32, #tpu.memory_space<vmem>>
            %dma_start3A_246 = tpu.memref_squeeze %dma_start3A_245 : memref<1x64x128xf32, #tpu.memory_space<vmem>> -> memref<64x128xf32, #tpu.memory_space<vmem>>
            %dma_start3A_247 = arith.constant 0 : i32
            %dma_start3A_248 = tpu.memref_slice %arg2[%dma_start3A_247, %multiple_of3A] : memref<64x1000000xf32, #tpu.memory_space<hbm>> -> memref<64x128xf32, #tpu.memory_space<hbm>>
            tpu.enqueue_dma source(%dma_start3A_248 : memref<64x128xf32, #tpu.memory_space<hbm>>) target(%dma_start3A_246 : memref<64x128xf32, #tpu.memory_space<vmem>>) target_semaphore(%arg12 : memref<!tpu.dma_semaphore, #tpu.memory_space<semaphore_mem>>)
          } else {
          }
          %mul3A_203 = arith.constant 5 : i32
          %mul3A_204 = arith.muli %add3A_153, %mul3A_203 : i32
          %add3A_205 = arith.constant 1 : i32
          %add3A_206 = arith.addi %mul3A_204, %add3A_205 : i32
          %lt3A_207 = arith.cmpi slt, %add3A_206, %scan3A_11 : i32
          %convert_element_type3A_208 = arith.extui %lt3A_207 : i1 to i32
          %cond3A_209 = arith.constant 0 : i32
          %cond3A_210 = arith.cmpi ne, %convert_element_type3A_208, %cond3A_209 : i32
          scf.if %cond3A_210 {
            %slice3A = vector.extract_strided_slice %gather3A_158 {offsets = [1], sizes = [1], strides = [1]} : vector<16xi32> to vector<1xi32>
            %squeeze3A = vector.extract %slice3A[0] : i32 from vector<1xi32>
            %mul3A_235 = arith.constant 128 : i32
            %mul3A_236 = arith.muli %squeeze3A, %mul3A_235 : i32
            %multiple_of3A = tpu.assume_multiple %mul3A_236, 128 : i32
            %dma_start3A = arith.constant 6 : i32
            %dma_start3A_237 = arith.constant 0 : i32
            %dma_start3A_238 = arith.constant 0 : i32
            %dma_start3A_239 = tpu.memref_slice %arg10[%dma_start3A, %dma_start3A_237, %dma_start3A_238] : memref<10x64x128xf32, #tpu.memory_space<vmem>> -> memref<1x64x128xf32, #tpu.memory_space<vmem>>
            %dma_start3A_240 = tpu.memref_squeeze %dma_start3A_239 : memref<1x64x128xf32, #tpu.memory_space<vmem>> -> memref<64x128xf32, #tpu.memory_space<vmem>>
            %dma_start3A_241 = arith.constant 0 : i32
            %dma_start3A_242 = tpu.memref_slice %arg2[%dma_start3A_241, %multiple_of3A] : memref<64x1000000xf32, #tpu.memory_space<hbm>> -> memref<64x128xf32, #tpu.memory_space<hbm>>
            %dma_start3A_243 = arith.constant 0 : i32
            %dma_start3A_244 = arith.constant 0 : i32
            %dma_start3A_245 = tpu.memref_slice %arg10[%dma_start3A, %dma_start3A_243, %dma_start3A_244] : memref<10x64x128xf32, #tpu.memory_space<vmem>> -> memref<1x64x128xf32, #tpu.memory_space<vmem>>
            %dma_start3A_246 = tpu.memref_squeeze %dma_start3A_245 : memref<1x64x128xf32, #tpu.memory_space<vmem>> -> memref<64x128xf32, #tpu.memory_space<vmem>>
            %dma_start3A_247 = arith.constant 0 : i32
            %dma_start3A_248 = tpu.memref_slice %arg2[%dma_start3A_247, %multiple_of3A] : memref<64x1000000xf32, #tpu.memory_space<hbm>> -> memref<64x128xf32, #tpu.memory_space<hbm>>
            tpu.enqueue_dma source(%dma_start3A_248 : memref<64x128xf32, #tpu.memory_space<hbm>>) target(%dma_start3A_246 : memref<64x128xf32, #tpu.memory_space<vmem>>) target_semaphore(%arg13 : memref<!tpu.dma_semaphore, #tpu.memory_space<semaphore_mem>>)
          } else {
          }
          %mul3A_211 = arith.constant 5 : i32
          %mul3A_212 = arith.muli %add3A_153, %mul3A_211 : i32
          %add3A_213 = arith.constant 2 : i32
          %add3A_214 = arith.addi %mul3A_212, %add3A_213 : i32
          %lt3A_215 = arith.cmpi slt, %add3A_214, %scan3A_11 : i32
          %convert_element_type3A_216 = arith.extui %lt3A_215 : i1 to i32
          %cond3A_217 = arith.constant 0 : i32
          %cond3A_218 = arith.cmpi ne, %convert_element_type3A_216, %cond3A_217 : i32
          scf.if %cond3A_218 {
            %slice3A = vector.extract_strided_slice %gather3A_158 {offsets = [2], sizes = [1], strides = [1]} : vector<16xi32> to vector<1xi32>
            %squeeze3A = vector.extract %slice3A[0] : i32 from vector<1xi32>
            %mul3A_235 = arith.constant 128 : i32
            %mul3A_236 = arith.muli %squeeze3A, %mul3A_235 : i32
            %multiple_of3A = tpu.assume_multiple %mul3A_236, 128 : i32
            %dma_start3A = arith.constant 7 : i32
            %dma_start3A_237 = arith.constant 0 : i32
            %dma_start3A_238 = arith.constant 0 : i32
            %dma_start3A_239 = tpu.memref_slice %arg10[%dma_start3A, %dma_start3A_237, %dma_start3A_238] : memref<10x64x128xf32, #tpu.memory_space<vmem>> -> memref<1x64x128xf32, #tpu.memory_space<vmem>>
            %dma_start3A_240 = tpu.memref_squeeze %dma_start3A_239 : memref<1x64x128xf32, #tpu.memory_space<vmem>> -> memref<64x128xf32, #tpu.memory_space<vmem>>
            %dma_start3A_241 = arith.constant 0 : i32
            %dma_start3A_242 = tpu.memref_slice %arg2[%dma_start3A_241, %multiple_of3A] : memref<64x1000000xf32, #tpu.memory_space<hbm>> -> memref<64x128xf32, #tpu.memory_space<hbm>>
            %dma_start3A_243 = arith.constant 0 : i32
            %dma_start3A_244 = arith.constant 0 : i32
            %dma_start3A_245 = tpu.memref_slice %arg10[%dma_start3A, %dma_start3A_243, %dma_start3A_244] : memref<10x64x128xf32, #tpu.memory_space<vmem>> -> memref<1x64x128xf32, #tpu.memory_space<vmem>>
            %dma_start3A_246 = tpu.memref_squeeze %dma_start3A_245 : memref<1x64x128xf32, #tpu.memory_space<vmem>> -> memref<64x128xf32, #tpu.memory_space<vmem>>
            %dma_start3A_247 = arith.constant 0 : i32
            %dma_start3A_248 = tpu.memref_slice %arg2[%dma_start3A_247, %multiple_of3A] : memref<64x1000000xf32, #tpu.memory_space<hbm>> -> memref<64x128xf32, #tpu.memory_space<hbm>>
            tpu.enqueue_dma source(%dma_start3A_248 : memref<64x128xf32, #tpu.memory_space<hbm>>) target(%dma_start3A_246 : memref<64x128xf32, #tpu.memory_space<vmem>>) target_semaphore(%arg14 : memref<!tpu.dma_semaphore, #tpu.memory_space<semaphore_mem>>)
          } else {
          }
          %mul3A_219 = arith.constant 5 : i32
          %mul3A_220 = arith.muli %add3A_153, %mul3A_219 : i32
          %add3A_221 = arith.constant 3 : i32
          %add3A_222 = arith.addi %mul3A_220, %add3A_221 : i32
          %lt3A_223 = arith.cmpi slt, %add3A_222, %scan3A_11 : i32
          %convert_element_type3A_224 = arith.extui %lt3A_223 : i1 to i32
          %cond3A_225 = arith.constant 0 : i32
          %cond3A_226 = arith.cmpi ne, %convert_element_type3A_224, %cond3A_225 : i32
          scf.if %cond3A_226 {
            %slice3A = vector.extract_strided_slice %gather3A_158 {offsets = [3], sizes = [1], strides = [1]} : vector<16xi32> to vector<1xi32>
            %squeeze3A = vector.extract %slice3A[0] : i32 from vector<1xi32>
            %mul3A_235 = arith.constant 128 : i32
            %mul3A_236 = arith.muli %squeeze3A, %mul3A_235 : i32
            %multiple_of3A = tpu.assume_multiple %mul3A_236, 128 : i32
            %dma_start3A = arith.constant 8 : i32
            %dma_start3A_237 = arith.constant 0 : i32
            %dma_start3A_238 = arith.constant 0 : i32
            %dma_start3A_239 = tpu.memref_slice %arg10[%dma_start3A, %dma_start3A_237, %dma_start3A_238] : memref<10x64x128xf32, #tpu.memory_space<vmem>> -> memref<1x64x128xf32, #tpu.memory_space<vmem>>
            %dma_start3A_240 = tpu.memref_squeeze %dma_start3A_239 : memref<1x64x128xf32, #tpu.memory_space<vmem>> -> memref<64x128xf32, #tpu.memory_space<vmem>>
            %dma_start3A_241 = arith.constant 0 : i32
            %dma_start3A_242 = tpu.memref_slice %arg2[%dma_start3A_241, %multiple_of3A] : memref<64x1000000xf32, #tpu.memory_space<hbm>> -> memref<64x128xf32, #tpu.memory_space<hbm>>
            %dma_start3A_243 = arith.constant 0 : i32
            %dma_start3A_244 = arith.constant 0 : i32
            %dma_start3A_245 = tpu.memref_slice %arg10[%dma_start3A, %dma_start3A_243, %dma_start3A_244] : memref<10x64x128xf32, #tpu.memory_space<vmem>> -> memref<1x64x128xf32, #tpu.memory_space<vmem>>
            %dma_start3A_246 = tpu.memref_squeeze %dma_start3A_245 : memref<1x64x128xf32, #tpu.memory_space<vmem>> -> memref<64x128xf32, #tpu.memory_space<vmem>>
            %dma_start3A_247 = arith.constant 0 : i32
            %dma_start3A_248 = tpu.memref_slice %arg2[%dma_start3A_247, %multiple_of3A] : memref<64x1000000xf32, #tpu.memory_space<hbm>> -> memref<64x128xf32, #tpu.memory_space<hbm>>
            tpu.enqueue_dma source(%dma_start3A_248 : memref<64x128xf32, #tpu.memory_space<hbm>>) target(%dma_start3A_246 : memref<64x128xf32, #tpu.memory_space<vmem>>) target_semaphore(%arg15 : memref<!tpu.dma_semaphore, #tpu.memory_space<semaphore_mem>>)
          } else {
          }
          %mul3A_227 = arith.constant 5 : i32
          %mul3A_228 = arith.muli %add3A_153, %mul3A_227 : i32
          %add3A_229 = arith.constant 4 : i32
          %add3A_230 = arith.addi %mul3A_228, %add3A_229 : i32
          %lt3A_231 = arith.cmpi slt, %add3A_230, %scan3A_11 : i32
          %convert_element_type3A_232 = arith.extui %lt3A_231 : i1 to i32
          %cond3A_233 = arith.constant 0 : i32
          %cond3A_234 = arith.cmpi ne, %convert_element_type3A_232, %cond3A_233 : i32
          scf.if %cond3A_234 {
            %slice3A = vector.extract_strided_slice %gather3A_158 {offsets = [4], sizes = [1], strides = [1]} : vector<16xi32> to vector<1xi32>
            %squeeze3A = vector.extract %slice3A[0] : i32 from vector<1xi32>
            %mul3A_235 = arith.constant 128 : i32
            %mul3A_236 = arith.muli %squeeze3A, %mul3A_235 : i32
            %multiple_of3A = tpu.assume_multiple %mul3A_236, 128 : i32
            %dma_start3A = arith.constant 9 : i32
            %dma_start3A_237 = arith.constant 0 : i32
            %dma_start3A_238 = arith.constant 0 : i32
            %dma_start3A_239 = tpu.memref_slice %arg10[%dma_start3A, %dma_start3A_237, %dma_start3A_238] : memref<10x64x128xf32, #tpu.memory_space<vmem>> -> memref<1x64x128xf32, #tpu.memory_space<vmem>>
            %dma_start3A_240 = tpu.memref_squeeze %dma_start3A_239 : memref<1x64x128xf32, #tpu.memory_space<vmem>> -> memref<64x128xf32, #tpu.memory_space<vmem>>
            %dma_start3A_241 = arith.constant 0 : i32
            %dma_start3A_242 = tpu.memref_slice %arg2[%dma_start3A_241, %multiple_of3A] : memref<64x1000000xf32, #tpu.memory_space<hbm>> -> memref<64x128xf32, #tpu.memory_space<hbm>>
            %dma_start3A_243 = arith.constant 0 : i32
            %dma_start3A_244 = arith.constant 0 : i32
            %dma_start3A_245 = tpu.memref_slice %arg10[%dma_start3A, %dma_start3A_243, %dma_start3A_244] : memref<10x64x128xf32, #tpu.memory_space<vmem>> -> memref<1x64x128xf32, #tpu.memory_space<vmem>>
            %dma_start3A_246 = tpu.memref_squeeze %dma_start3A_245 : memref<1x64x128xf32, #tpu.memory_space<vmem>> -> memref<64x128xf32, #tpu.memory_space<vmem>>
            %dma_start3A_247 = arith.constant 0 : i32
            %dma_start3A_248 = tpu.memref_slice %arg2[%dma_start3A_247, %multiple_of3A] : memref<64x1000000xf32, #tpu.memory_space<hbm>> -> memref<64x128xf32, #tpu.memory_space<hbm>>
            tpu.enqueue_dma source(%dma_start3A_248 : memref<64x128xf32, #tpu.memory_space<hbm>>) target(%dma_start3A_246 : memref<64x128xf32, #tpu.memory_space<vmem>>) target_semaphore(%arg16 : memref<!tpu.dma_semaphore, #tpu.memory_space<semaphore_mem>>)
          } else {
          }
        } else {
        }
      } else {
      }
      %add3A_118 = arith.constant 1 : i32
      %add3A_119 = arith.addi %while3A_70, %add3A_118 : i32
      %mul3A_120 = arith.constant 5 : i32
      %mul3A_121 = arith.muli %add3A_119, %mul3A_120 : i32
      %jit3A_122 = arith.constant 2 : i32
      %div3A_123 = arith.divsi %while3A_70, %jit3A_122 : i32
      %sign3A_124 = arith.constant 0 : i32
      %sign3A_125 = arith.cmpi sgt, %while3A_70, %sign3A_124 : i32
      %sign3A_126 = arith.extui %sign3A_125 : i1 to i32
      %sign3A_127 = arith.constant 0 : i32
      %sign3A_128 = arith.cmpi slt, %while3A_70, %sign3A_127 : i32
      %sign3A_129 = arith.extui %sign3A_128 : i1 to i32
      %sign3A_130 = arith.subi %sign3A_126, %sign3A_129 : i32
      %sign3A_131 = arith.constant 0 : i32
      %sign3A_132 = arith.cmpi sgt, %jit3A_122, %sign3A_131 : i32
      %sign3A_133 = arith.extui %sign3A_132 : i1 to i32
      %sign3A_134 = arith.constant 0 : i32
      %sign3A_135 = arith.cmpi slt, %jit3A_122, %sign3A_134 : i32
      %sign3A_136 = arith.extui %sign3A_135 : i1 to i32
      %sign3A_137 = arith.subi %sign3A_133, %sign3A_136 : i32
      %ne3A_138 = arith.cmpi ne, %sign3A_130, %sign3A_137 : i32
      %rem3A_139 = arith.remsi %while3A_70, %jit3A_122 : i32
      %ne3A_140 = arith.constant 0 : i32
      %ne3A_141 = arith.cmpi ne, %rem3A_139, %ne3A_140 : i32
      %and3A_142 = arith.andi %ne3A_138, %ne3A_141 : i1
      %sub3A_143 = arith.constant 1 : i32
      %sub3A_144 = arith.subi %div3A_123, %sub3A_143 : i32
      %select_n3A_145 = arith.select %and3A_142, %sub3A_144, %div3A_123 : i32
      %mul3A_146 = arith.constant 2 : i32
      %mul3A_147 = arith.muli %select_n3A_145, %mul3A_146 : i32
      %sub3A_148 = arith.subi %while3A_70, %mul3A_147 : i32
      %mul3A_149 = arith.constant 5 : i32
      %mul3A_150 = arith.muli %sub3A_148, %mul3A_149 : i32
      %while3A_151:2 = scf.while (%while3A_152 = %while3A_71, %while3A_153 = %while3A_72) : (i32, i32) -> (i32, i32) {
        %mul3A_154 = arith.constant 0 : i32
        %mul3A_155 = vector.broadcast %mul3A_154 : i32 to vector<16xi32>
        %mul3A_156 = arith.muli %iota3A, %mul3A_155 : vector<16xi32>
        %add3A_157 = vector.broadcast %while3A_152 : i32 to vector<16xi32>
        %add3A_158 = arith.addi %mul3A_156, %add3A_157 : vector<16xi32>
        %gather3A_159 = tpu.vector_load_idx %arg7[%add3A_158] : memref<528xi32, #tpu.memory_space<vmem>>[vector<16xi32>], vector<16xi32>,
        %slice3A = vector.extract_strided_slice %gather3A_159 {offsets = [0], sizes = [1], strides = [1]} : vector<16xi32> to vector<1xi32>
        %squeeze3A = vector.extract %slice3A[0] : i32 from vector<1xi32>
        %lt3A_160 = arith.constant 512 : i32
        %lt3A_161 = arith.cmpi slt, %while3A_152, %lt3A_160 : i32
        %lt3A_162 = arith.cmpi slt, %squeeze3A, %mul3A_121 : i32
        %and3A_163 = arith.andi %lt3A_161, %lt3A_162 : i1
        scf.condition(%and3A_163) %while3A_152, %while3A_153 : i32, i32
      } do {
      ^bb0(%while3A_152: i32, %while3A_153: i32):
        %mul3A_154 = arith.constant 0 : i32
        %mul3A_155 = vector.broadcast %mul3A_154 : i32 to vector<16xi32>
        %mul3A_156 = arith.muli %iota3A, %mul3A_155 : vector<16xi32>
        %add3A_157 = vector.broadcast %while3A_152 : i32 to vector<16xi32>
        %add3A_158 = arith.addi %mul3A_156, %add3A_157 : vector<16xi32>
        %gather3A_159 = tpu.vector_load_idx %arg7[%add3A_158] : memref<528xi32, #tpu.memory_space<vmem>>[vector<16xi32>], vector<16xi32>,
        %slice3A = vector.extract_strided_slice %gather3A_159 {offsets = [0], sizes = [1], strides = [1]} : vector<16xi32> to vector<1xi32>
        %squeeze3A = vector.extract %slice3A[0] : i32 from vector<1xi32>
        %mul3A_160 = arith.constant 0 : i32
        %mul3A_161 = vector.broadcast %mul3A_160 : i32 to vector<16xi32>
        %mul3A_162 = arith.muli %iota3A, %mul3A_161 : vector<16xi32>
        %add3A_163 = vector.broadcast %while3A_152 : i32 to vector<16xi32>
        %add3A_164 = arith.addi %mul3A_162, %add3A_163 : vector<16xi32>
        %gather3A_165 = tpu.vector_load_idx %arg6[%add3A_164] : memref<528xi32, #tpu.memory_space<vmem>>[vector<16xi32>], vector<16xi32>,
        %slice3A_166 = vector.extract_strided_slice %gather3A_165 {offsets = [0], sizes = [1], strides = [1]} : vector<16xi32> to vector<1xi32>
        %squeeze3A_167 = vector.extract %slice3A_166[0] : i32 from vector<1xi32>
        %mul3A_168 = arith.constant 0 : i32
        %mul3A_169 = vector.broadcast %mul3A_168 : i32 to vector<16xi32>
        %mul3A_170 = arith.muli %iota3A, %mul3A_169 : vector<16xi32>
        %add3A_171 = arith.addi %mul3A_150, %squeeze3A : i32
        %mul3A_172 = arith.constant 5 : i32
        %mul3A_173 = arith.muli %while3A_70, %mul3A_172 : i32
        %sub3A_174 = arith.subi %add3A_171, %mul3A_173 : i32
        %add3A_175 = vector.broadcast %sub3A_174 : i32 to vector<16xi32>
        %add3A_176 = arith.addi %mul3A_170, %add3A_175 : vector<16xi32>
        %mul3A_177 = arith.constant 0 : i32
        %mul3A_178 = vector.broadcast %mul3A_177 : i32 to vector<16xi32>
        %mul3A_179 = arith.muli %iota3A, %mul3A_178 : vector<16xi32>
        %jit3A_180 = arith.constant 128 : i32
        %div3A_181 = arith.divsi %squeeze3A_167, %jit3A_180 : i32
        %sign3A_182 = arith.constant 0 : i32
        %sign3A_183 = arith.cmpi sgt, %squeeze3A_167, %sign3A_182 : i32
        %sign3A_184 = arith.extui %sign3A_183 : i1 to i32
        %sign3A_185 = arith.constant 0 : i32
        %sign3A_186 = arith.cmpi slt, %squeeze3A_167, %sign3A_185 : i32
        %sign3A_187 = arith.extui %sign3A_186 : i1 to i32
        %sign3A_188 = arith.subi %sign3A_184, %sign3A_187 : i32
        %sign3A_189 = arith.constant 0 : i32
        %sign3A_190 = arith.cmpi sgt, %jit3A_180, %sign3A_189 : i32
        %sign3A_191 = arith.extui %sign3A_190 : i1 to i32
        %sign3A_192 = arith.constant 0 : i32
        %sign3A_193 = arith.cmpi slt, %jit3A_180, %sign3A_192 : i32
        %sign3A_194 = arith.extui %sign3A_193 : i1 to i32
        %sign3A_195 = arith.subi %sign3A_191, %sign3A_194 : i32
        %ne3A_196 = arith.cmpi ne, %sign3A_188, %sign3A_195 : i32
        %rem3A_197 = arith.remsi %squeeze3A_167, %jit3A_180 : i32
        %ne3A_198 = arith.constant 0 : i32
        %ne3A_199 = arith.cmpi ne, %rem3A_197, %ne3A_198 : i32
        %and3A_200 = arith.andi %ne3A_196, %ne3A_199 : i1
        %sub3A_201 = arith.constant 1 : i32
        %sub3A_202 = arith.subi %div3A_181, %sub3A_201 : i32
        %select_n3A_203 = arith.select %and3A_200, %sub3A_202, %div3A_181 : i32
        %mul3A_204 = arith.constant 128 : i32
        %mul3A_205 = arith.muli %select_n3A_203, %mul3A_204 : i32
        %sub3A_206 = arith.subi %squeeze3A_167, %mul3A_205 : i32
        %add3A_207 = vector.broadcast %sub3A_206 : i32 to vector<16xi32>
        %add3A_208 = arith.addi %mul3A_179, %add3A_207 : vector<16xi32>
        %mul3A_209 = arith.constant 0 : i32
        %mul3A_210 = vector.broadcast %mul3A_209 : i32 to vector<16xi32>
        %mul3A_211 = arith.muli %iota3A, %mul3A_210 : vector<16xi32>
        %jit3A_212 = arith.constant 256 : i32
        %div3A_213 = arith.divsi %while3A_152, %jit3A_212 : i32
        %sign3A_214 = arith.constant 0 : i32
        %sign3A_215 = arith.cmpi sgt, %while3A_152, %sign3A_214 : i32
        %sign3A_216 = arith.extui %sign3A_215 : i1 to i32
        %sign3A_217 = arith.constant 0 : i32
        %sign3A_218 = arith.cmpi slt, %while3A_152, %sign3A_217 : i32
        %sign3A_219 = arith.extui %sign3A_218 : i1 to i32
        %sign3A_220 = arith.subi %sign3A_216, %sign3A_219 : i32
        %sign3A_221 = arith.constant 0 : i32
        %sign3A_222 = arith.cmpi sgt, %jit3A_212, %sign3A_221 : i32
        %sign3A_223 = arith.extui %sign3A_222 : i1 to i32
        %sign3A_224 = arith.constant 0 : i32
        %sign3A_225 = arith.cmpi slt, %jit3A_212, %sign3A_224 : i32
        %sign3A_226 = arith.extui %sign3A_225 : i1 to i32
        %sign3A_227 = arith.subi %sign3A_223, %sign3A_226 : i32
        %ne3A_228 = arith.cmpi ne, %sign3A_220, %sign3A_227 : i32
        %rem3A_229 = arith.remsi %while3A_152, %jit3A_212 : i32
        %ne3A_230 = arith.constant 0 : i32
        %ne3A_231 = arith.cmpi ne, %rem3A_229, %ne3A_230 : i32
        %and3A_232 = arith.andi %ne3A_228, %ne3A_231 : i1
        %sub3A_233 = arith.constant 1 : i32
        %sub3A_234 = arith.subi %div3A_213, %sub3A_233 : i32
        %select_n3A_235 = arith.select %and3A_232, %sub3A_234, %div3A_213 : i32
        %mul3A_236 = arith.constant 256 : i32
        %mul3A_237 = arith.muli %select_n3A_235, %mul3A_236 : i32
        %sub3A_238 = arith.subi %while3A_152, %mul3A_237 : i32
        %add3A_239 = vector.broadcast %sub3A_238 : i32 to vector<16xi32>
        %add3A_240 = arith.addi %mul3A_211, %add3A_239 : vector<16xi32>
        %add3A_241 = arith.constant 0 : i32
        %add3A_242 = vector.broadcast %add3A_241 : i32 to vector<16xi32>
        %add3A_243 = arith.addi %iota3A, %add3A_242 : vector<16xi32>
        %gather3A_244 = tpu.vector_load_idx %arg10[%add3A_176, %add3A_243, %add3A_208] : memref<10x64x128xf32, #tpu.memory_space<vmem>>[vector<16xi32>, vector<16xi32>, vector<16xi32>], vector<16xf32>,
        %add3A_245 = arith.constant 0 : i32
        %add3A_246 = vector.broadcast %add3A_245 : i32 to vector<16xi32>
        %add3A_247 = arith.addi %iota3A, %add3A_246 : vector<16xi32>
        tpu.vector_store_idx %arg11[%add3A_240, %add3A_247], %gather3A_244 : memref<256x128xf32, #tpu.memory_space<vmem>>[vector<16xi32>, vector<16xi32>], vector<16xf32>,
        %add3A_248 = arith.constant 16 : i32
        %add3A_249 = vector.broadcast %add3A_248 : i32 to vector<16xi32>
        %add3A_250 = arith.addi %iota3A, %add3A_249 : vector<16xi32>
        %gather3A_251 = tpu.vector_load_idx %arg10[%add3A_176, %add3A_250, %add3A_208] : memref<10x64x128xf32, #tpu.memory_space<vmem>>[vector<16xi32>, vector<16xi32>, vector<16xi32>], vector<16xf32>,
        %add3A_252 = arith.constant 16 : i32
        %add3A_253 = vector.broadcast %add3A_252 : i32 to vector<16xi32>
        %add3A_254 = arith.addi %iota3A, %add3A_253 : vector<16xi32>
        tpu.vector_store_idx %arg11[%add3A_240, %add3A_254], %gather3A_251 : memref<256x128xf32, #tpu.memory_space<vmem>>[vector<16xi32>, vector<16xi32>], vector<16xf32>,
        %add3A_255 = arith.constant 32 : i32
        %add3A_256 = vector.broadcast %add3A_255 : i32 to vector<16xi32>
        %add3A_257 = arith.addi %iota3A, %add3A_256 : vector<16xi32>
        %gather3A_258 = tpu.vector_load_idx %arg10[%add3A_176, %add3A_257, %add3A_208] : memref<10x64x128xf32, #tpu.memory_space<vmem>>[vector<16xi32>, vector<16xi32>, vector<16xi32>], vector<16xf32>,
        %add3A_259 = arith.constant 32 : i32
        %add3A_260 = vector.broadcast %add3A_259 : i32 to vector<16xi32>
        %add3A_261 = arith.addi %iota3A, %add3A_260 : vector<16xi32>
        tpu.vector_store_idx %arg11[%add3A_240, %add3A_261], %gather3A_258 : memref<256x128xf32, #tpu.memory_space<vmem>>[vector<16xi32>, vector<16xi32>], vector<16xf32>,
        %add3A_262 = arith.constant 48 : i32
        %add3A_263 = vector.broadcast %add3A_262 : i32 to vector<16xi32>
        %add3A_264 = arith.addi %iota3A, %add3A_263 : vector<16xi32>
        %gather3A_265 = tpu.vector_load_idx %arg10[%add3A_176, %add3A_264, %add3A_208] : memref<10x64x128xf32, #tpu.memory_space<vmem>>[vector<16xi32>, vector<16xi32>, vector<16xi32>], vector<16xf32>,
        %add3A_266 = arith.constant 48 : i32
        %add3A_267 = vector.broadcast %add3A_266 : i32 to vector<16xi32>
        %add3A_268 = arith.addi %iota3A, %add3A_267 : vector<16xi32>
        tpu.vector_store_idx %arg11[%add3A_240, %add3A_268], %gather3A_265 : memref<256x128xf32, #tpu.memory_space<vmem>>[vector<16xi32>, vector<16xi32>], vector<16xf32>,
        %while3A_269 = scf.while (%while3A_272 = %while3A_153) : (i32) -> i32 {
          %add3A_273 = arith.constant 1 : i32
          %add3A_274 = arith.addi %while3A_272, %add3A_273 : i32
          %mul3A_275 = arith.constant 128 : i32
          %mul3A_276 = arith.muli %add3A_274, %mul3A_275 : i32
          %add3A_277 = arith.constant 1 : i32
          %add3A_278 = arith.addi %while3A_152, %add3A_277 : i32
          %le3A = arith.cmpi sle, %mul3A_276, %add3A_278 : i32
          scf.condition(%le3A) %while3A_272 : i32
        } do {
        ^bb0(%while3A_272: i32):
          %jit3A_273 = arith.constant 2 : i32
          %div3A_274 = arith.divsi %while3A_272, %jit3A_273 : i32
          %sign3A_275 = arith.constant 0 : i32
          %sign3A_276 = arith.cmpi sgt, %while3A_272, %sign3A_275 : i32
          %sign3A_277 = arith.extui %sign3A_276 : i1 to i32
          %sign3A_278 = arith.constant 0 : i32
          %sign3A_279 = arith.cmpi slt, %while3A_272, %sign3A_278 : i32
          %sign3A_280 = arith.extui %sign3A_279 : i1 to i32
          %sign3A_281 = arith.subi %sign3A_277, %sign3A_280 : i32
          %sign3A_282 = arith.constant 0 : i32
          %sign3A_283 = arith.cmpi sgt, %jit3A_273, %sign3A_282 : i32
          %sign3A_284 = arith.extui %sign3A_283 : i1 to i32
          %sign3A_285 = arith.constant 0 : i32
          %sign3A_286 = arith.cmpi slt, %jit3A_273, %sign3A_285 : i32
          %sign3A_287 = arith.extui %sign3A_286 : i1 to i32
          %sign3A_288 = arith.subi %sign3A_284, %sign3A_287 : i32
          %ne3A_289 = arith.cmpi ne, %sign3A_281, %sign3A_288 : i32
          %rem3A_290 = arith.remsi %while3A_272, %jit3A_273 : i32
          %ne3A_291 = arith.constant 0 : i32
          %ne3A_292 = arith.cmpi ne, %rem3A_290, %ne3A_291 : i32
          %and3A_293 = arith.andi %ne3A_289, %ne3A_292 : i1
          %sub3A_294 = arith.constant 1 : i32
          %sub3A_295 = arith.subi %div3A_274, %sub3A_294 : i32
          %select_n3A_296 = arith.select %and3A_293, %sub3A_295, %div3A_274 : i32
          %mul3A_297 = arith.constant 2 : i32
          %mul3A_298 = arith.muli %select_n3A_296, %mul3A_297 : i32
          %sub3A_299 = arith.subi %while3A_272, %mul3A_298 : i32
          %mul3A_300 = arith.constant 128 : i32
          %mul3A_301 = arith.muli %sub3A_299, %mul3A_300 : i32
          %multiple_of3A = tpu.assume_multiple %mul3A_301, 128 : i32
          %dma_start3A = arith.constant 0 : i32
          %dma_start3A_302 = tpu.memref_slice %arg11[%multiple_of3A, %dma_start3A] : memref<256x128xf32, #tpu.memory_space<vmem>> -> memref<128x128xf32, #tpu.memory_space<vmem>>
          %dma_start3A_303 = arith.constant 0 : i32
          %dma_start3A_304 = tpu.memref_slice %arg9[%while3A_272, %dma_start3A_303] : memref<4x128xi32, #tpu.memory_space<vmem>> -> memref<1x128xi32, #tpu.memory_space<vmem>>
          %dma_start3A_305 = tpu.memref_squeeze %dma_start3A_304 : memref<1x128xi32, #tpu.memory_space<vmem>> -> memref<128xi32, #tpu.memory_space<vmem>>
          %dma_start3A_306 = arith.constant 0 : i32
          %dma_start3A_307 = arith.constant 0 : i32
          %dma_start3A_308 = tpu.memref_slice %arg5[%dma_start3A_306, %dma_start3A_307] : memref<16384x128xf32, #tpu.memory_space<hbm>> -> memref<16384x128xf32, #tpu.memory_space<hbm>>
          tpu.enqueue_indirect_dma source(%dma_start3A_302 : memref<128x128xf32, #tpu.memory_space<vmem>>) target(%dma_start3A_308 : memref<16384x128xf32, #tpu.memory_space<hbm>>) offsets(%dma_start3A_305 : memref<128xi32, #tpu.memory_space<vmem>>) semaphore(%arg17 : memref<!tpu.dma_semaphore, #tpu.memory_space<semaphore_mem>>)
          %dma_wait3A = arith.constant 0 : i32
          %dma_wait3A_309 = tpu.memref_slice %arg11[%multiple_of3A, %dma_wait3A] : memref<256x128xf32, #tpu.memory_space<vmem>> -> memref<128x128xf32, #tpu.memory_space<vmem>>
          %dma_wait3A_310 = arith.constant 0 : i32
          %dma_wait3A_311 = tpu.memref_slice %arg9[%while3A_272, %dma_wait3A_310] : memref<4x128xi32, #tpu.memory_space<vmem>> -> memref<1x128xi32, #tpu.memory_space<vmem>>
          %dma_wait3A_312 = tpu.memref_squeeze %dma_wait3A_311 : memref<1x128xi32, #tpu.memory_space<vmem>> -> memref<128xi32, #tpu.memory_space<vmem>>
          %dma_wait3A_313 = arith.constant 0 : i32
          %dma_wait3A_314 = arith.constant 0 : i32
          %dma_wait3A_315 = tpu.memref_slice %arg5[%dma_wait3A_313, %dma_wait3A_314] : memref<16384x128xf32, #tpu.memory_space<hbm>> -> memref<16384x128xf32, #tpu.memory_space<hbm>>
          tpu.wait_indirect_dma semaphore(%arg17 : memref<!tpu.dma_semaphore, #tpu.memory_space<semaphore_mem>>) src(%dma_wait3A_309 : memref<128x128xf32, #tpu.memory_space<vmem>>) dst(%dma_wait3A_315 : memref<16384x128xf32, #tpu.memory_space<hbm>>)
          %add3A_316 = arith.constant 1 : i32
          %add3A_317 = arith.addi %while3A_272, %add3A_316 : i32
          scf.yield %add3A_317 : i32
        }
        %add3A_270 = arith.constant 1 : i32
        %add3A_271 = arith.addi %while3A_152, %add3A_270 : i32
        scf.yield %add3A_271, %while3A_269 : i32, i32
      }
      scf.yield %while3A_151#0, %while3A_151#1 : i32, i32
    }
    %while3A_68 = arith.constant 1 : i32
    %while3A_69:2 = scf.for %while3A_70 = %while3A_65 to %while3A_61 step %while3A_68 iter_args(%while3A_71 = %while3A_67#0, %while3A_72 = %while3A_67#1) -> (i32, i32)  : i32 {
      %mul3A_73 = arith.constant 5 : i32
      %mul3A_74 = arith.muli %while3A_70, %mul3A_73 : i32
      %add3A_75 = arith.constant 0 : i32
      %add3A_76 = arith.addi %mul3A_74, %add3A_75 : i32
      %lt3A = arith.cmpi slt, %add3A_76, %scan3A_11 : i32
      %convert_element_type3A_77 = arith.extui %lt3A : i1 to i32
      %cond3A_78 = arith.constant 0 : i32
      %cond3A_79 = arith.cmpi ne, %convert_element_type3A_77, %cond3A_78 : i32
      scf.if %cond3A_79 {
        %dma_wait3A = arith.constant 0 : i32
        %dma_wait3A_152 = arith.constant 0 : i32
        %dma_wait3A_153 = arith.constant 0 : i32
        %dma_wait3A_154 = tpu.memref_slice %arg10[%dma_wait3A, %dma_wait3A_152, %dma_wait3A_153] : memref<10x64x128xf32, #tpu.memory_space<vmem>> -> memref<1x64x128xf32, #tpu.memory_space<vmem>>
        %dma_wait3A_155 = tpu.memref_squeeze %dma_wait3A_154 : memref<1x64x128xf32, #tpu.memory_space<vmem>> -> memref<64x128xf32, #tpu.memory_space<vmem>>
        %dma_wait3A_156 = arith.constant 0 : i32
        %dma_wait3A_157 = arith.constant 0 : i32
        %dma_wait3A_158 = tpu.memref_slice %arg2[%dma_wait3A_156, %dma_wait3A_157] : memref<64x1000000xf32, #tpu.memory_space<hbm>> -> memref<64x128xf32, #tpu.memory_space<hbm>>
        %dma_wait3A_159 = arith.constant 0 : i32
        %dma_wait3A_160 = arith.constant 0 : i32
        %dma_wait3A_161 = tpu.memref_slice %arg10[%dma_wait3A, %dma_wait3A_159, %dma_wait3A_160] : memref<10x64x128xf32, #tpu.memory_space<vmem>> -> memref<1x64x128xf32, #tpu.memory_space<vmem>>
        %dma_wait3A_162 = tpu.memref_squeeze %dma_wait3A_161 : memref<1x64x128xf32, #tpu.memory_space<vmem>> -> memref<64x128xf32, #tpu.memory_space<vmem>>
        %dma_wait3A_163 = arith.constant 0 : i32
        %dma_wait3A_164 = arith.constant 0 : i32
        %dma_wait3A_165 = tpu.memref_slice %arg2[%dma_wait3A_163, %dma_wait3A_164] : memref<64x1000000xf32, #tpu.memory_space<hbm>> -> memref<64x128xf32, #tpu.memory_space<hbm>>
        tpu.wait_dma2 semaphore(%arg12 : memref<!tpu.dma_semaphore, #tpu.memory_space<semaphore_mem>>) src(%dma_wait3A_165 : memref<64x128xf32, #tpu.memory_space<hbm>>) dst(%dma_wait3A_162 : memref<64x128xf32, #tpu.memory_space<vmem>>)
      } else {
      }
      %mul3A_80 = arith.constant 5 : i32
      %mul3A_81 = arith.muli %while3A_70, %mul3A_80 : i32
      %add3A_82 = arith.constant 1 : i32
      %add3A_83 = arith.addi %mul3A_81, %add3A_82 : i32
      %lt3A_84 = arith.cmpi slt, %add3A_83, %scan3A_11 : i32
      %convert_element_type3A_85 = arith.extui %lt3A_84 : i1 to i32
      %cond3A_86 = arith.constant 0 : i32
      %cond3A_87 = arith.cmpi ne, %convert_element_type3A_85, %cond3A_86 : i32
      scf.if %cond3A_87 {
        %dma_wait3A = arith.constant 1 : i32
        %dma_wait3A_152 = arith.constant 0 : i32
        %dma_wait3A_153 = arith.constant 0 : i32
        %dma_wait3A_154 = tpu.memref_slice %arg10[%dma_wait3A, %dma_wait3A_152, %dma_wait3A_153] : memref<10x64x128xf32, #tpu.memory_space<vmem>> -> memref<1x64x128xf32, #tpu.memory_space<vmem>>
        %dma_wait3A_155 = tpu.memref_squeeze %dma_wait3A_154 : memref<1x64x128xf32, #tpu.memory_space<vmem>> -> memref<64x128xf32, #tpu.memory_space<vmem>>
        %dma_wait3A_156 = arith.constant 0 : i32
        %dma_wait3A_157 = arith.constant 0 : i32
        %dma_wait3A_158 = tpu.memref_slice %arg2[%dma_wait3A_156, %dma_wait3A_157] : memref<64x1000000xf32, #tpu.memory_space<hbm>> -> memref<64x128xf32, #tpu.memory_space<hbm>>
        %dma_wait3A_159 = arith.constant 0 : i32
        %dma_wait3A_160 = arith.constant 0 : i32
        %dma_wait3A_161 = tpu.memref_slice %arg10[%dma_wait3A, %dma_wait3A_159, %dma_wait3A_160] : memref<10x64x128xf32, #tpu.memory_space<vmem>> -> memref<1x64x128xf32, #tpu.memory_space<vmem>>
        %dma_wait3A_162 = tpu.memref_squeeze %dma_wait3A_161 : memref<1x64x128xf32, #tpu.memory_space<vmem>> -> memref<64x128xf32, #tpu.memory_space<vmem>>
        %dma_wait3A_163 = arith.constant 0 : i32
        %dma_wait3A_164 = arith.constant 0 : i32
        %dma_wait3A_165 = tpu.memref_slice %arg2[%dma_wait3A_163, %dma_wait3A_164] : memref<64x1000000xf32, #tpu.memory_space<hbm>> -> memref<64x128xf32, #tpu.memory_space<hbm>>
        tpu.wait_dma2 semaphore(%arg13 : memref<!tpu.dma_semaphore, #tpu.memory_space<semaphore_mem>>) src(%dma_wait3A_165 : memref<64x128xf32, #tpu.memory_space<hbm>>) dst(%dma_wait3A_162 : memref<64x128xf32, #tpu.memory_space<vmem>>)
      } else {
      }
      %mul3A_88 = arith.constant 5 : i32
      %mul3A_89 = arith.muli %while3A_70, %mul3A_88 : i32
      %add3A_90 = arith.constant 2 : i32
      %add3A_91 = arith.addi %mul3A_89, %add3A_90 : i32
      %lt3A_92 = arith.cmpi slt, %add3A_91, %scan3A_11 : i32
      %convert_element_type3A_93 = arith.extui %lt3A_92 : i1 to i32
      %cond3A_94 = arith.constant 0 : i32
      %cond3A_95 = arith.cmpi ne, %convert_element_type3A_93, %cond3A_94 : i32
      scf.if %cond3A_95 {
        %dma_wait3A = arith.constant 2 : i32
        %dma_wait3A_152 = arith.constant 0 : i32
        %dma_wait3A_153 = arith.constant 0 : i32
        %dma_wait3A_154 = tpu.memref_slice %arg10[%dma_wait3A, %dma_wait3A_152, %dma_wait3A_153] : memref<10x64x128xf32, #tpu.memory_space<vmem>> -> memref<1x64x128xf32, #tpu.memory_space<vmem>>
        %dma_wait3A_155 = tpu.memref_squeeze %dma_wait3A_154 : memref<1x64x128xf32, #tpu.memory_space<vmem>> -> memref<64x128xf32, #tpu.memory_space<vmem>>
        %dma_wait3A_156 = arith.constant 0 : i32
        %dma_wait3A_157 = arith.constant 0 : i32
        %dma_wait3A_158 = tpu.memref_slice %arg2[%dma_wait3A_156, %dma_wait3A_157] : memref<64x1000000xf32, #tpu.memory_space<hbm>> -> memref<64x128xf32, #tpu.memory_space<hbm>>
        %dma_wait3A_159 = arith.constant 0 : i32
        %dma_wait3A_160 = arith.constant 0 : i32
        %dma_wait3A_161 = tpu.memref_slice %arg10[%dma_wait3A, %dma_wait3A_159, %dma_wait3A_160] : memref<10x64x128xf32, #tpu.memory_space<vmem>> -> memref<1x64x128xf32, #tpu.memory_space<vmem>>
        %dma_wait3A_162 = tpu.memref_squeeze %dma_wait3A_161 : memref<1x64x128xf32, #tpu.memory_space<vmem>> -> memref<64x128xf32, #tpu.memory_space<vmem>>
        %dma_wait3A_163 = arith.constant 0 : i32
        %dma_wait3A_164 = arith.constant 0 : i32
        %dma_wait3A_165 = tpu.memref_slice %arg2[%dma_wait3A_163, %dma_wait3A_164] : memref<64x1000000xf32, #tpu.memory_space<hbm>> -> memref<64x128xf32, #tpu.memory_space<hbm>>
        tpu.wait_dma2 semaphore(%arg14 : memref<!tpu.dma_semaphore, #tpu.memory_space<semaphore_mem>>) src(%dma_wait3A_165 : memref<64x128xf32, #tpu.memory_space<hbm>>) dst(%dma_wait3A_162 : memref<64x128xf32, #tpu.memory_space<vmem>>)
      } else {
      }
      %mul3A_96 = arith.constant 5 : i32
      %mul3A_97 = arith.muli %while3A_70, %mul3A_96 : i32
      %add3A_98 = arith.constant 3 : i32
      %add3A_99 = arith.addi %mul3A_97, %add3A_98 : i32
      %lt3A_100 = arith.cmpi slt, %add3A_99, %scan3A_11 : i32
      %convert_element_type3A_101 = arith.extui %lt3A_100 : i1 to i32
      %cond3A_102 = arith.constant 0 : i32
      %cond3A_103 = arith.cmpi ne, %convert_element_type3A_101, %cond3A_102 : i32
      scf.if %cond3A_103 {
        %dma_wait3A = arith.constant 3 : i32
        %dma_wait3A_152 = arith.constant 0 : i32
        %dma_wait3A_153 = arith.constant 0 : i32
        %dma_wait3A_154 = tpu.memref_slice %arg10[%dma_wait3A, %dma_wait3A_152, %dma_wait3A_153] : memref<10x64x128xf32, #tpu.memory_space<vmem>> -> memref<1x64x128xf32, #tpu.memory_space<vmem>>
        %dma_wait3A_155 = tpu.memref_squeeze %dma_wait3A_154 : memref<1x64x128xf32, #tpu.memory_space<vmem>> -> memref<64x128xf32, #tpu.memory_space<vmem>>
        %dma_wait3A_156 = arith.constant 0 : i32
        %dma_wait3A_157 = arith.constant 0 : i32
        %dma_wait3A_158 = tpu.memref_slice %arg2[%dma_wait3A_156, %dma_wait3A_157] : memref<64x1000000xf32, #tpu.memory_space<hbm>> -> memref<64x128xf32, #tpu.memory_space<hbm>>
        %dma_wait3A_159 = arith.constant 0 : i32
        %dma_wait3A_160 = arith.constant 0 : i32
        %dma_wait3A_161 = tpu.memref_slice %arg10[%dma_wait3A, %dma_wait3A_159, %dma_wait3A_160] : memref<10x64x128xf32, #tpu.memory_space<vmem>> -> memref<1x64x128xf32, #tpu.memory_space<vmem>>
        %dma_wait3A_162 = tpu.memref_squeeze %dma_wait3A_161 : memref<1x64x128xf32, #tpu.memory_space<vmem>> -> memref<64x128xf32, #tpu.memory_space<vmem>>
        %dma_wait3A_163 = arith.constant 0 : i32
        %dma_wait3A_164 = arith.constant 0 : i32
        %dma_wait3A_165 = tpu.memref_slice %arg2[%dma_wait3A_163, %dma_wait3A_164] : memref<64x1000000xf32, #tpu.memory_space<hbm>> -> memref<64x128xf32, #tpu.memory_space<hbm>>
        tpu.wait_dma2 semaphore(%arg15 : memref<!tpu.dma_semaphore, #tpu.memory_space<semaphore_mem>>) src(%dma_wait3A_165 : memref<64x128xf32, #tpu.memory_space<hbm>>) dst(%dma_wait3A_162 : memref<64x128xf32, #tpu.memory_space<vmem>>)
      } else {
      }
      %mul3A_104 = arith.constant 5 : i32
      %mul3A_105 = arith.muli %while3A_70, %mul3A_104 : i32
      %add3A_106 = arith.constant 4 : i32
      %add3A_107 = arith.addi %mul3A_105, %add3A_106 : i32
      %lt3A_108 = arith.cmpi slt, %add3A_107, %scan3A_11 : i32
      %convert_element_type3A_109 = arith.extui %lt3A_108 : i1 to i32
      %cond3A_110 = arith.constant 0 : i32
      %cond3A_111 = arith.cmpi ne, %convert_element_type3A_109, %cond3A_110 : i32
      scf.if %cond3A_111 {
        %dma_wait3A = arith.constant 4 : i32
        %dma_wait3A_152 = arith.constant 0 : i32
        %dma_wait3A_153 = arith.constant 0 : i32
        %dma_wait3A_154 = tpu.memref_slice %arg10[%dma_wait3A, %dma_wait3A_152, %dma_wait3A_153] : memref<10x64x128xf32, #tpu.memory_space<vmem>> -> memref<1x64x128xf32, #tpu.memory_space<vmem>>
        %dma_wait3A_155 = tpu.memref_squeeze %dma_wait3A_154 : memref<1x64x128xf32, #tpu.memory_space<vmem>> -> memref<64x128xf32, #tpu.memory_space<vmem>>
        %dma_wait3A_156 = arith.constant 0 : i32
        %dma_wait3A_157 = arith.constant 0 : i32
        %dma_wait3A_158 = tpu.memref_slice %arg2[%dma_wait3A_156, %dma_wait3A_157] : memref<64x1000000xf32, #tpu.memory_space<hbm>> -> memref<64x128xf32, #tpu.memory_space<hbm>>
        %dma_wait3A_159 = arith.constant 0 : i32
        %dma_wait3A_160 = arith.constant 0 : i32
        %dma_wait3A_161 = tpu.memref_slice %arg10[%dma_wait3A, %dma_wait3A_159, %dma_wait3A_160] : memref<10x64x128xf32, #tpu.memory_space<vmem>> -> memref<1x64x128xf32, #tpu.memory_space<vmem>>
        %dma_wait3A_162 = tpu.memref_squeeze %dma_wait3A_161 : memref<1x64x128xf32, #tpu.memory_space<vmem>> -> memref<64x128xf32, #tpu.memory_space<vmem>>
        %dma_wait3A_163 = arith.constant 0 : i32
        %dma_wait3A_164 = arith.constant 0 : i32
        %dma_wait3A_165 = tpu.memref_slice %arg2[%dma_wait3A_163, %dma_wait3A_164] : memref<64x1000000xf32, #tpu.memory_space<hbm>> -> memref<64x128xf32, #tpu.memory_space<hbm>>
        tpu.wait_dma2 semaphore(%arg16 : memref<!tpu.dma_semaphore, #tpu.memory_space<semaphore_mem>>) src(%dma_wait3A_165 : memref<64x128xf32, #tpu.memory_space<hbm>>) dst(%dma_wait3A_162 : memref<64x128xf32, #tpu.memory_space<vmem>>)
      } else {
      }
      %add3A_112 = arith.constant 1 : i32
      %add3A_113 = arith.addi %while3A_70, %add3A_112 : i32
      %lt3A_114 = arith.cmpi slt, %add3A_113, %select_n3A : i32
      %convert_element_type3A_115 = arith.extui %lt3A_114 : i1 to i32
      %cond3A_116 = arith.constant 0 : i32
      %cond3A_117 = arith.cmpi ne, %convert_element_type3A_115, %cond3A_116 : i32
      scf.if %cond3A_117 {
        %add3A_152 = arith.constant 1 : i32
        %add3A_153 = arith.addi %while3A_70, %add3A_152 : i32
        %mul3A_154 = arith.constant 5 : i32
        %mul3A_155 = arith.muli %add3A_153, %mul3A_154 : i32
        %add3A_156 = vector.broadcast %mul3A_155 : i32 to vector<16xi32>
        %add3A_157 = arith.addi %iota3A, %add3A_156 : vector<16xi32>
        %gather3A_158 = tpu.vector_load_idx %arg8[%add3A_157] : memref<528xi32, #tpu.memory_space<vmem>>[vector<16xi32>], vector<16xi32>,
        %jit3A_159 = arith.constant 2 : i32
        %div3A_160 = arith.divsi %add3A_153, %jit3A_159 : i32
        %sign3A_161 = arith.constant 0 : i32
        %sign3A_162 = arith.cmpi sgt, %add3A_153, %sign3A_161 : i32
        %sign3A_163 = arith.extui %sign3A_162 : i1 to i32
        %sign3A_164 = arith.constant 0 : i32
        %sign3A_165 = arith.cmpi slt, %add3A_153, %sign3A_164 : i32
        %sign3A_166 = arith.extui %sign3A_165 : i1 to i32
        %sign3A_167 = arith.subi %sign3A_163, %sign3A_166 : i32
        %sign3A_168 = arith.constant 0 : i32
        %sign3A_169 = arith.cmpi sgt, %jit3A_159, %sign3A_168 : i32
        %sign3A_170 = arith.extui %sign3A_169 : i1 to i32
        %sign3A_171 = arith.constant 0 : i32
        %sign3A_172 = arith.cmpi slt, %jit3A_159, %sign3A_171 : i32
        %sign3A_173 = arith.extui %sign3A_172 : i1 to i32
        %sign3A_174 = arith.subi %sign3A_170, %sign3A_173 : i32
        %ne3A_175 = arith.cmpi ne, %sign3A_167, %sign3A_174 : i32
        %rem3A_176 = arith.remsi %add3A_153, %jit3A_159 : i32
        %ne3A_177 = arith.constant 0 : i32
        %ne3A_178 = arith.cmpi ne, %rem3A_176, %ne3A_177 : i32
        %and3A_179 = arith.andi %ne3A_175, %ne3A_178 : i1
        %sub3A_180 = arith.constant 1 : i32
        %sub3A_181 = arith.subi %div3A_160, %sub3A_180 : i32
        %select_n3A_182 = arith.select %and3A_179, %sub3A_181, %div3A_160 : i32
        %mul3A_183 = arith.constant 2 : i32
        %mul3A_184 = arith.muli %select_n3A_182, %mul3A_183 : i32
        %sub3A_185 = arith.subi %add3A_153, %mul3A_184 : i32
        %eq3A = arith.constant 0 : i32
        %eq3A_186 = arith.cmpi eq, %sub3A_185, %eq3A : i32
        %convert_element_type3A_187 = arith.extui %eq3A_186 : i1 to i32
        %cond3A_188 = arith.constant 0 : i32
        %cond3A_189 = arith.cmpi ne, %convert_element_type3A_187, %cond3A_188 : i32
        scf.if %cond3A_189 {
          %mul3A_195 = arith.constant 5 : i32
          %mul3A_196 = arith.muli %add3A_153, %mul3A_195 : i32
          %add3A_197 = arith.constant 0 : i32
          %add3A_198 = arith.addi %mul3A_196, %add3A_197 : i32
          %lt3A_199 = arith.cmpi slt, %add3A_198, %scan3A_11 : i32
          %convert_element_type3A_200 = arith.extui %lt3A_199 : i1 to i32
          %cond3A_201 = arith.constant 0 : i32
          %cond3A_202 = arith.cmpi ne, %convert_element_type3A_200, %cond3A_201 : i32
          scf.if %cond3A_202 {
            %slice3A = vector.extract_strided_slice %gather3A_158 {offsets = [0], sizes = [1], strides = [1]} : vector<16xi32> to vector<1xi32>
            %squeeze3A = vector.extract %slice3A[0] : i32 from vector<1xi32>
            %mul3A_235 = arith.constant 128 : i32
            %mul3A_236 = arith.muli %squeeze3A, %mul3A_235 : i32
            %multiple_of3A = tpu.assume_multiple %mul3A_236, 128 : i32
            %dma_start3A = arith.constant 0 : i32
            %dma_start3A_237 = arith.constant 0 : i32
            %dma_start3A_238 = arith.constant 0 : i32
            %dma_start3A_239 = tpu.memref_slice %arg10[%dma_start3A, %dma_start3A_237, %dma_start3A_238] : memref<10x64x128xf32, #tpu.memory_space<vmem>> -> memref<1x64x128xf32, #tpu.memory_space<vmem>>
            %dma_start3A_240 = tpu.memref_squeeze %dma_start3A_239 : memref<1x64x128xf32, #tpu.memory_space<vmem>> -> memref<64x128xf32, #tpu.memory_space<vmem>>
            %dma_start3A_241 = arith.constant 0 : i32
            %dma_start3A_242 = tpu.memref_slice %arg2[%dma_start3A_241, %multiple_of3A] : memref<64x1000000xf32, #tpu.memory_space<hbm>> -> memref<64x128xf32, #tpu.memory_space<hbm>>
            %dma_start3A_243 = arith.constant 0 : i32
            %dma_start3A_244 = arith.constant 0 : i32
            %dma_start3A_245 = tpu.memref_slice %arg10[%dma_start3A, %dma_start3A_243, %dma_start3A_244] : memref<10x64x128xf32, #tpu.memory_space<vmem>> -> memref<1x64x128xf32, #tpu.memory_space<vmem>>
            %dma_start3A_246 = tpu.memref_squeeze %dma_start3A_245 : memref<1x64x128xf32, #tpu.memory_space<vmem>> -> memref<64x128xf32, #tpu.memory_space<vmem>>
            %dma_start3A_247 = arith.constant 0 : i32
            %dma_start3A_248 = tpu.memref_slice %arg2[%dma_start3A_247, %multiple_of3A] : memref<64x1000000xf32, #tpu.memory_space<hbm>> -> memref<64x128xf32, #tpu.memory_space<hbm>>
            tpu.enqueue_dma source(%dma_start3A_248 : memref<64x128xf32, #tpu.memory_space<hbm>>) target(%dma_start3A_246 : memref<64x128xf32, #tpu.memory_space<vmem>>) target_semaphore(%arg12 : memref<!tpu.dma_semaphore, #tpu.memory_space<semaphore_mem>>)
          } else {
          }
          %mul3A_203 = arith.constant 5 : i32
          %mul3A_204 = arith.muli %add3A_153, %mul3A_203 : i32
          %add3A_205 = arith.constant 1 : i32
          %add3A_206 = arith.addi %mul3A_204, %add3A_205 : i32
          %lt3A_207 = arith.cmpi slt, %add3A_206, %scan3A_11 : i32
          %convert_element_type3A_208 = arith.extui %lt3A_207 : i1 to i32
          %cond3A_209 = arith.constant 0 : i32
          %cond3A_210 = arith.cmpi ne, %convert_element_type3A_208, %cond3A_209 : i32
          scf.if %cond3A_210 {
            %slice3A = vector.extract_strided_slice %gather3A_158 {offsets = [1], sizes = [1], strides = [1]} : vector<16xi32> to vector<1xi32>
            %squeeze3A = vector.extract %slice3A[0] : i32 from vector<1xi32>
            %mul3A_235 = arith.constant 128 : i32
            %mul3A_236 = arith.muli %squeeze3A, %mul3A_235 : i32
            %multiple_of3A = tpu.assume_multiple %mul3A_236, 128 : i32
            %dma_start3A = arith.constant 1 : i32
            %dma_start3A_237 = arith.constant 0 : i32
            %dma_start3A_238 = arith.constant 0 : i32
            %dma_start3A_239 = tpu.memref_slice %arg10[%dma_start3A, %dma_start3A_237, %dma_start3A_238] : memref<10x64x128xf32, #tpu.memory_space<vmem>> -> memref<1x64x128xf32, #tpu.memory_space<vmem>>
            %dma_start3A_240 = tpu.memref_squeeze %dma_start3A_239 : memref<1x64x128xf32, #tpu.memory_space<vmem>> -> memref<64x128xf32, #tpu.memory_space<vmem>>
            %dma_start3A_241 = arith.constant 0 : i32
            %dma_start3A_242 = tpu.memref_slice %arg2[%dma_start3A_241, %multiple_of3A] : memref<64x1000000xf32, #tpu.memory_space<hbm>> -> memref<64x128xf32, #tpu.memory_space<hbm>>
            %dma_start3A_243 = arith.constant 0 : i32
            %dma_start3A_244 = arith.constant 0 : i32
            %dma_start3A_245 = tpu.memref_slice %arg10[%dma_start3A, %dma_start3A_243, %dma_start3A_244] : memref<10x64x128xf32, #tpu.memory_space<vmem>> -> memref<1x64x128xf32, #tpu.memory_space<vmem>>
            %dma_start3A_246 = tpu.memref_squeeze %dma_start3A_245 : memref<1x64x128xf32, #tpu.memory_space<vmem>> -> memref<64x128xf32, #tpu.memory_space<vmem>>
            %dma_start3A_247 = arith.constant 0 : i32
            %dma_start3A_248 = tpu.memref_slice %arg2[%dma_start3A_247, %multiple_of3A] : memref<64x1000000xf32, #tpu.memory_space<hbm>> -> memref<64x128xf32, #tpu.memory_space<hbm>>
            tpu.enqueue_dma source(%dma_start3A_248 : memref<64x128xf32, #tpu.memory_space<hbm>>) target(%dma_start3A_246 : memref<64x128xf32, #tpu.memory_space<vmem>>) target_semaphore(%arg13 : memref<!tpu.dma_semaphore, #tpu.memory_space<semaphore_mem>>)
          } else {
          }
          %mul3A_211 = arith.constant 5 : i32
          %mul3A_212 = arith.muli %add3A_153, %mul3A_211 : i32
          %add3A_213 = arith.constant 2 : i32
          %add3A_214 = arith.addi %mul3A_212, %add3A_213 : i32
          %lt3A_215 = arith.cmpi slt, %add3A_214, %scan3A_11 : i32
          %convert_element_type3A_216 = arith.extui %lt3A_215 : i1 to i32
          %cond3A_217 = arith.constant 0 : i32
          %cond3A_218 = arith.cmpi ne, %convert_element_type3A_216, %cond3A_217 : i32
          scf.if %cond3A_218 {
            %slice3A = vector.extract_strided_slice %gather3A_158 {offsets = [2], sizes = [1], strides = [1]} : vector<16xi32> to vector<1xi32>
            %squeeze3A = vector.extract %slice3A[0] : i32 from vector<1xi32>
            %mul3A_235 = arith.constant 128 : i32
            %mul3A_236 = arith.muli %squeeze3A, %mul3A_235 : i32
            %multiple_of3A = tpu.assume_multiple %mul3A_236, 128 : i32
            %dma_start3A = arith.constant 2 : i32
            %dma_start3A_237 = arith.constant 0 : i32
            %dma_start3A_238 = arith.constant 0 : i32
            %dma_start3A_239 = tpu.memref_slice %arg10[%dma_start3A, %dma_start3A_237, %dma_start3A_238] : memref<10x64x128xf32, #tpu.memory_space<vmem>> -> memref<1x64x128xf32, #tpu.memory_space<vmem>>
            %dma_start3A_240 = tpu.memref_squeeze %dma_start3A_239 : memref<1x64x128xf32, #tpu.memory_space<vmem>> -> memref<64x128xf32, #tpu.memory_space<vmem>>
            %dma_start3A_241 = arith.constant 0 : i32
            %dma_start3A_242 = tpu.memref_slice %arg2[%dma_start3A_241, %multiple_of3A] : memref<64x1000000xf32, #tpu.memory_space<hbm>> -> memref<64x128xf32, #tpu.memory_space<hbm>>
            %dma_start3A_243 = arith.constant 0 : i32
            %dma_start3A_244 = arith.constant 0 : i32
            %dma_start3A_245 = tpu.memref_slice %arg10[%dma_start3A, %dma_start3A_243, %dma_start3A_244] : memref<10x64x128xf32, #tpu.memory_space<vmem>> -> memref<1x64x128xf32, #tpu.memory_space<vmem>>
            %dma_start3A_246 = tpu.memref_squeeze %dma_start3A_245 : memref<1x64x128xf32, #tpu.memory_space<vmem>> -> memref<64x128xf32, #tpu.memory_space<vmem>>
            %dma_start3A_247 = arith.constant 0 : i32
            %dma_start3A_248 = tpu.memref_slice %arg2[%dma_start3A_247, %multiple_of3A] : memref<64x1000000xf32, #tpu.memory_space<hbm>> -> memref<64x128xf32, #tpu.memory_space<hbm>>
            tpu.enqueue_dma source(%dma_start3A_248 : memref<64x128xf32, #tpu.memory_space<hbm>>) target(%dma_start3A_246 : memref<64x128xf32, #tpu.memory_space<vmem>>) target_semaphore(%arg14 : memref<!tpu.dma_semaphore, #tpu.memory_space<semaphore_mem>>)
          } else {
          }
          %mul3A_219 = arith.constant 5 : i32
          %mul3A_220 = arith.muli %add3A_153, %mul3A_219 : i32
          %add3A_221 = arith.constant 3 : i32
          %add3A_222 = arith.addi %mul3A_220, %add3A_221 : i32
          %lt3A_223 = arith.cmpi slt, %add3A_222, %scan3A_11 : i32
          %convert_element_type3A_224 = arith.extui %lt3A_223 : i1 to i32
          %cond3A_225 = arith.constant 0 : i32
          %cond3A_226 = arith.cmpi ne, %convert_element_type3A_224, %cond3A_225 : i32
          scf.if %cond3A_226 {
            %slice3A = vector.extract_strided_slice %gather3A_158 {offsets = [3], sizes = [1], strides = [1]} : vector<16xi32> to vector<1xi32>
            %squeeze3A = vector.extract %slice3A[0] : i32 from vector<1xi32>
            %mul3A_235 = arith.constant 128 : i32
            %mul3A_236 = arith.muli %squeeze3A, %mul3A_235 : i32
            %multiple_of3A = tpu.assume_multiple %mul3A_236, 128 : i32
            %dma_start3A = arith.constant 3 : i32
            %dma_start3A_237 = arith.constant 0 : i32
            %dma_start3A_238 = arith.constant 0 : i32
            %dma_start3A_239 = tpu.memref_slice %arg10[%dma_start3A, %dma_start3A_237, %dma_start3A_238] : memref<10x64x128xf32, #tpu.memory_space<vmem>> -> memref<1x64x128xf32, #tpu.memory_space<vmem>>
            %dma_start3A_240 = tpu.memref_squeeze %dma_start3A_239 : memref<1x64x128xf32, #tpu.memory_space<vmem>> -> memref<64x128xf32, #tpu.memory_space<vmem>>
            %dma_start3A_241 = arith.constant 0 : i32
            %dma_start3A_242 = tpu.memref_slice %arg2[%dma_start3A_241, %multiple_of3A] : memref<64x1000000xf32, #tpu.memory_space<hbm>> -> memref<64x128xf32, #tpu.memory_space<hbm>>
            %dma_start3A_243 = arith.constant 0 : i32
            %dma_start3A_244 = arith.constant 0 : i32
            %dma_start3A_245 = tpu.memref_slice %arg10[%dma_start3A, %dma_start3A_243, %dma_start3A_244] : memref<10x64x128xf32, #tpu.memory_space<vmem>> -> memref<1x64x128xf32, #tpu.memory_space<vmem>>
            %dma_start3A_246 = tpu.memref_squeeze %dma_start3A_245 : memref<1x64x128xf32, #tpu.memory_space<vmem>> -> memref<64x128xf32, #tpu.memory_space<vmem>>
            %dma_start3A_247 = arith.constant 0 : i32
            %dma_start3A_248 = tpu.memref_slice %arg2[%dma_start3A_247, %multiple_of3A] : memref<64x1000000xf32, #tpu.memory_space<hbm>> -> memref<64x128xf32, #tpu.memory_space<hbm>>
            tpu.enqueue_dma source(%dma_start3A_248 : memref<64x128xf32, #tpu.memory_space<hbm>>) target(%dma_start3A_246 : memref<64x128xf32, #tpu.memory_space<vmem>>) target_semaphore(%arg15 : memref<!tpu.dma_semaphore, #tpu.memory_space<semaphore_mem>>)
          } else {
          }
          %mul3A_227 = arith.constant 5 : i32
          %mul3A_228 = arith.muli %add3A_153, %mul3A_227 : i32
          %add3A_229 = arith.constant 4 : i32
          %add3A_230 = arith.addi %mul3A_228, %add3A_229 : i32
          %lt3A_231 = arith.cmpi slt, %add3A_230, %scan3A_11 : i32
          %convert_element_type3A_232 = arith.extui %lt3A_231 : i1 to i32
          %cond3A_233 = arith.constant 0 : i32
          %cond3A_234 = arith.cmpi ne, %convert_element_type3A_232, %cond3A_233 : i32
          scf.if %cond3A_234 {
            %slice3A = vector.extract_strided_slice %gather3A_158 {offsets = [4], sizes = [1], strides = [1]} : vector<16xi32> to vector<1xi32>
            %squeeze3A = vector.extract %slice3A[0] : i32 from vector<1xi32>
            %mul3A_235 = arith.constant 128 : i32
            %mul3A_236 = arith.muli %squeeze3A, %mul3A_235 : i32
            %multiple_of3A = tpu.assume_multiple %mul3A_236, 128 : i32
            %dma_start3A = arith.constant 4 : i32
            %dma_start3A_237 = arith.constant 0 : i32
            %dma_start3A_238 = arith.constant 0 : i32
            %dma_start3A_239 = tpu.memref_slice %arg10[%dma_start3A, %dma_start3A_237, %dma_start3A_238] : memref<10x64x128xf32, #tpu.memory_space<vmem>> -> memref<1x64x128xf32, #tpu.memory_space<vmem>>
            %dma_start3A_240 = tpu.memref_squeeze %dma_start3A_239 : memref<1x64x128xf32, #tpu.memory_space<vmem>> -> memref<64x128xf32, #tpu.memory_space<vmem>>
            %dma_start3A_241 = arith.constant 0 : i32
            %dma_start3A_242 = tpu.memref_slice %arg2[%dma_start3A_241, %multiple_of3A] : memref<64x1000000xf32, #tpu.memory_space<hbm>> -> memref<64x128xf32, #tpu.memory_space<hbm>>
            %dma_start3A_243 = arith.constant 0 : i32
            %dma_start3A_244 = arith.constant 0 : i32
            %dma_start3A_245 = tpu.memref_slice %arg10[%dma_start3A, %dma_start3A_243, %dma_start3A_244] : memref<10x64x128xf32, #tpu.memory_space<vmem>> -> memref<1x64x128xf32, #tpu.memory_space<vmem>>
            %dma_start3A_246 = tpu.memref_squeeze %dma_start3A_245 : memref<1x64x128xf32, #tpu.memory_space<vmem>> -> memref<64x128xf32, #tpu.memory_space<vmem>>
            %dma_start3A_247 = arith.constant 0 : i32
            %dma_start3A_248 = tpu.memref_slice %arg2[%dma_start3A_247, %multiple_of3A] : memref<64x1000000xf32, #tpu.memory_space<hbm>> -> memref<64x128xf32, #tpu.memory_space<hbm>>
            tpu.enqueue_dma source(%dma_start3A_248 : memref<64x128xf32, #tpu.memory_space<hbm>>) target(%dma_start3A_246 : memref<64x128xf32, #tpu.memory_space<vmem>>) target_semaphore(%arg16 : memref<!tpu.dma_semaphore, #tpu.memory_space<semaphore_mem>>)
          } else {
          }
        } else {
        }
        %eq3A_190 = arith.constant 1 : i32
        %eq3A_191 = arith.cmpi eq, %sub3A_185, %eq3A_190 : i32
        %convert_element_type3A_192 = arith.extui %eq3A_191 : i1 to i32
        %cond3A_193 = arith.constant 0 : i32
        %cond3A_194 = arith.cmpi ne, %convert_element_type3A_192, %cond3A_193 : i32
        scf.if %cond3A_194 {
          %mul3A_195 = arith.constant 5 : i32
          %mul3A_196 = arith.muli %add3A_153, %mul3A_195 : i32
          %add3A_197 = arith.constant 0 : i32
          %add3A_198 = arith.addi %mul3A_196, %add3A_197 : i32
          %lt3A_199 = arith.cmpi slt, %add3A_198, %scan3A_11 : i32
          %convert_element_type3A_200 = arith.extui %lt3A_199 : i1 to i32
          %cond3A_201 = arith.constant 0 : i32
          %cond3A_202 = arith.cmpi ne, %convert_element_type3A_200, %cond3A_201 : i32
          scf.if %cond3A_202 {
            %slice3A = vector.extract_strided_slice %gather3A_158 {offsets = [0], sizes = [1], strides = [1]} : vector<16xi32> to vector<1xi32>
            %squeeze3A = vector.extract %slice3A[0] : i32 from vector<1xi32>
            %mul3A_235 = arith.constant 128 : i32
            %mul3A_236 = arith.muli %squeeze3A, %mul3A_235 : i32
            %multiple_of3A = tpu.assume_multiple %mul3A_236, 128 : i32
            %dma_start3A = arith.constant 5 : i32
            %dma_start3A_237 = arith.constant 0 : i32
            %dma_start3A_238 = arith.constant 0 : i32
            %dma_start3A_239 = tpu.memref_slice %arg10[%dma_start3A, %dma_start3A_237, %dma_start3A_238] : memref<10x64x128xf32, #tpu.memory_space<vmem>> -> memref<1x64x128xf32, #tpu.memory_space<vmem>>
            %dma_start3A_240 = tpu.memref_squeeze %dma_start3A_239 : memref<1x64x128xf32, #tpu.memory_space<vmem>> -> memref<64x128xf32, #tpu.memory_space<vmem>>
            %dma_start3A_241 = arith.constant 0 : i32
            %dma_start3A_242 = tpu.memref_slice %arg2[%dma_start3A_241, %multiple_of3A] : memref<64x1000000xf32, #tpu.memory_space<hbm>> -> memref<64x128xf32, #tpu.memory_space<hbm>>
            %dma_start3A_243 = arith.constant 0 : i32
            %dma_start3A_244 = arith.constant 0 : i32
            %dma_start3A_245 = tpu.memref_slice %arg10[%dma_start3A, %dma_start3A_243, %dma_start3A_244] : memref<10x64x128xf32, #tpu.memory_space<vmem>> -> memref<1x64x128xf32, #tpu.memory_space<vmem>>
            %dma_start3A_246 = tpu.memref_squeeze %dma_start3A_245 : memref<1x64x128xf32, #tpu.memory_space<vmem>> -> memref<64x128xf32, #tpu.memory_space<vmem>>
            %dma_start3A_247 = arith.constant 0 : i32
            %dma_start3A_248 = tpu.memref_slice %arg2[%dma_start3A_247, %multiple_of3A] : memref<64x1000000xf32, #tpu.memory_space<hbm>> -> memref<64x128xf32, #tpu.memory_space<hbm>>
            tpu.enqueue_dma source(%dma_start3A_248 : memref<64x128xf32, #tpu.memory_space<hbm>>) target(%dma_start3A_246 : memref<64x128xf32, #tpu.memory_space<vmem>>) target_semaphore(%arg12 : memref<!tpu.dma_semaphore, #tpu.memory_space<semaphore_mem>>)
          } else {
          }
          %mul3A_203 = arith.constant 5 : i32
          %mul3A_204 = arith.muli %add3A_153, %mul3A_203 : i32
          %add3A_205 = arith.constant 1 : i32
          %add3A_206 = arith.addi %mul3A_204, %add3A_205 : i32
          %lt3A_207 = arith.cmpi slt, %add3A_206, %scan3A_11 : i32
          %convert_element_type3A_208 = arith.extui %lt3A_207 : i1 to i32
          %cond3A_209 = arith.constant 0 : i32
          %cond3A_210 = arith.cmpi ne, %convert_element_type3A_208, %cond3A_209 : i32
          scf.if %cond3A_210 {
            %slice3A = vector.extract_strided_slice %gather3A_158 {offsets = [1], sizes = [1], strides = [1]} : vector<16xi32> to vector<1xi32>
            %squeeze3A = vector.extract %slice3A[0] : i32 from vector<1xi32>
            %mul3A_235 = arith.constant 128 : i32
            %mul3A_236 = arith.muli %squeeze3A, %mul3A_235 : i32
            %multiple_of3A = tpu.assume_multiple %mul3A_236, 128 : i32
            %dma_start3A = arith.constant 6 : i32
            %dma_start3A_237 = arith.constant 0 : i32
            %dma_start3A_238 = arith.constant 0 : i32
            %dma_start3A_239 = tpu.memref_slice %arg10[%dma_start3A, %dma_start3A_237, %dma_start3A_238] : memref<10x64x128xf32, #tpu.memory_space<vmem>> -> memref<1x64x128xf32, #tpu.memory_space<vmem>>
            %dma_start3A_240 = tpu.memref_squeeze %dma_start3A_239 : memref<1x64x128xf32, #tpu.memory_space<vmem>> -> memref<64x128xf32, #tpu.memory_space<vmem>>
            %dma_start3A_241 = arith.constant 0 : i32
            %dma_start3A_242 = tpu.memref_slice %arg2[%dma_start3A_241, %multiple_of3A] : memref<64x1000000xf32, #tpu.memory_space<hbm>> -> memref<64x128xf32, #tpu.memory_space<hbm>>
            %dma_start3A_243 = arith.constant 0 : i32
            %dma_start3A_244 = arith.constant 0 : i32
            %dma_start3A_245 = tpu.memref_slice %arg10[%dma_start3A, %dma_start3A_243, %dma_start3A_244] : memref<10x64x128xf32, #tpu.memory_space<vmem>> -> memref<1x64x128xf32, #tpu.memory_space<vmem>>
            %dma_start3A_246 = tpu.memref_squeeze %dma_start3A_245 : memref<1x64x128xf32, #tpu.memory_space<vmem>> -> memref<64x128xf32, #tpu.memory_space<vmem>>
            %dma_start3A_247 = arith.constant 0 : i32
            %dma_start3A_248 = tpu.memref_slice %arg2[%dma_start3A_247, %multiple_of3A] : memref<64x1000000xf32, #tpu.memory_space<hbm>> -> memref<64x128xf32, #tpu.memory_space<hbm>>
            tpu.enqueue_dma source(%dma_start3A_248 : memref<64x128xf32, #tpu.memory_space<hbm>>) target(%dma_start3A_246 : memref<64x128xf32, #tpu.memory_space<vmem>>) target_semaphore(%arg13 : memref<!tpu.dma_semaphore, #tpu.memory_space<semaphore_mem>>)
          } else {
          }
          %mul3A_211 = arith.constant 5 : i32
          %mul3A_212 = arith.muli %add3A_153, %mul3A_211 : i32
          %add3A_213 = arith.constant 2 : i32
          %add3A_214 = arith.addi %mul3A_212, %add3A_213 : i32
          %lt3A_215 = arith.cmpi slt, %add3A_214, %scan3A_11 : i32
          %convert_element_type3A_216 = arith.extui %lt3A_215 : i1 to i32
          %cond3A_217 = arith.constant 0 : i32
          %cond3A_218 = arith.cmpi ne, %convert_element_type3A_216, %cond3A_217 : i32
          scf.if %cond3A_218 {
            %slice3A = vector.extract_strided_slice %gather3A_158 {offsets = [2], sizes = [1], strides = [1]} : vector<16xi32> to vector<1xi32>
            %squeeze3A = vector.extract %slice3A[0] : i32 from vector<1xi32>
            %mul3A_235 = arith.constant 128 : i32
            %mul3A_236 = arith.muli %squeeze3A, %mul3A_235 : i32
            %multiple_of3A = tpu.assume_multiple %mul3A_236, 128 : i32
            %dma_start3A = arith.constant 7 : i32
            %dma_start3A_237 = arith.constant 0 : i32
            %dma_start3A_238 = arith.constant 0 : i32
            %dma_start3A_239 = tpu.memref_slice %arg10[%dma_start3A, %dma_start3A_237, %dma_start3A_238] : memref<10x64x128xf32, #tpu.memory_space<vmem>> -> memref<1x64x128xf32, #tpu.memory_space<vmem>>
            %dma_start3A_240 = tpu.memref_squeeze %dma_start3A_239 : memref<1x64x128xf32, #tpu.memory_space<vmem>> -> memref<64x128xf32, #tpu.memory_space<vmem>>
            %dma_start3A_241 = arith.constant 0 : i32
            %dma_start3A_242 = tpu.memref_slice %arg2[%dma_start3A_241, %multiple_of3A] : memref<64x1000000xf32, #tpu.memory_space<hbm>> -> memref<64x128xf32, #tpu.memory_space<hbm>>
            %dma_start3A_243 = arith.constant 0 : i32
            %dma_start3A_244 = arith.constant 0 : i32
            %dma_start3A_245 = tpu.memref_slice %arg10[%dma_start3A, %dma_start3A_243, %dma_start3A_244] : memref<10x64x128xf32, #tpu.memory_space<vmem>> -> memref<1x64x128xf32, #tpu.memory_space<vmem>>
            %dma_start3A_246 = tpu.memref_squeeze %dma_start3A_245 : memref<1x64x128xf32, #tpu.memory_space<vmem>> -> memref<64x128xf32, #tpu.memory_space<vmem>>
            %dma_start3A_247 = arith.constant 0 : i32
            %dma_start3A_248 = tpu.memref_slice %arg2[%dma_start3A_247, %multiple_of3A] : memref<64x1000000xf32, #tpu.memory_space<hbm>> -> memref<64x128xf32, #tpu.memory_space<hbm>>
            tpu.enqueue_dma source(%dma_start3A_248 : memref<64x128xf32, #tpu.memory_space<hbm>>) target(%dma_start3A_246 : memref<64x128xf32, #tpu.memory_space<vmem>>) target_semaphore(%arg14 : memref<!tpu.dma_semaphore, #tpu.memory_space<semaphore_mem>>)
          } else {
          }
          %mul3A_219 = arith.constant 5 : i32
          %mul3A_220 = arith.muli %add3A_153, %mul3A_219 : i32
          %add3A_221 = arith.constant 3 : i32
          %add3A_222 = arith.addi %mul3A_220, %add3A_221 : i32
          %lt3A_223 = arith.cmpi slt, %add3A_222, %scan3A_11 : i32
          %convert_element_type3A_224 = arith.extui %lt3A_223 : i1 to i32
          %cond3A_225 = arith.constant 0 : i32
          %cond3A_226 = arith.cmpi ne, %convert_element_type3A_224, %cond3A_225 : i32
          scf.if %cond3A_226 {
            %slice3A = vector.extract_strided_slice %gather3A_158 {offsets = [3], sizes = [1], strides = [1]} : vector<16xi32> to vector<1xi32>
            %squeeze3A = vector.extract %slice3A[0] : i32 from vector<1xi32>
            %mul3A_235 = arith.constant 128 : i32
            %mul3A_236 = arith.muli %squeeze3A, %mul3A_235 : i32
            %multiple_of3A = tpu.assume_multiple %mul3A_236, 128 : i32
            %dma_start3A = arith.constant 8 : i32
            %dma_start3A_237 = arith.constant 0 : i32
            %dma_start3A_238 = arith.constant 0 : i32
            %dma_start3A_239 = tpu.memref_slice %arg10[%dma_start3A, %dma_start3A_237, %dma_start3A_238] : memref<10x64x128xf32, #tpu.memory_space<vmem>> -> memref<1x64x128xf32, #tpu.memory_space<vmem>>
            %dma_start3A_240 = tpu.memref_squeeze %dma_start3A_239 : memref<1x64x128xf32, #tpu.memory_space<vmem>> -> memref<64x128xf32, #tpu.memory_space<vmem>>
            %dma_start3A_241 = arith.constant 0 : i32
            %dma_start3A_242 = tpu.memref_slice %arg2[%dma_start3A_241, %multiple_of3A] : memref<64x1000000xf32, #tpu.memory_space<hbm>> -> memref<64x128xf32, #tpu.memory_space<hbm>>
            %dma_start3A_243 = arith.constant 0 : i32
            %dma_start3A_244 = arith.constant 0 : i32
            %dma_start3A_245 = tpu.memref_slice %arg10[%dma_start3A, %dma_start3A_243, %dma_start3A_244] : memref<10x64x128xf32, #tpu.memory_space<vmem>> -> memref<1x64x128xf32, #tpu.memory_space<vmem>>
            %dma_start3A_246 = tpu.memref_squeeze %dma_start3A_245 : memref<1x64x128xf32, #tpu.memory_space<vmem>> -> memref<64x128xf32, #tpu.memory_space<vmem>>
            %dma_start3A_247 = arith.constant 0 : i32
            %dma_start3A_248 = tpu.memref_slice %arg2[%dma_start3A_247, %multiple_of3A] : memref<64x1000000xf32, #tpu.memory_space<hbm>> -> memref<64x128xf32, #tpu.memory_space<hbm>>
            tpu.enqueue_dma source(%dma_start3A_248 : memref<64x128xf32, #tpu.memory_space<hbm>>) target(%dma_start3A_246 : memref<64x128xf32, #tpu.memory_space<vmem>>) target_semaphore(%arg15 : memref<!tpu.dma_semaphore, #tpu.memory_space<semaphore_mem>>)
          } else {
          }
          %mul3A_227 = arith.constant 5 : i32
          %mul3A_228 = arith.muli %add3A_153, %mul3A_227 : i32
          %add3A_229 = arith.constant 4 : i32
          %add3A_230 = arith.addi %mul3A_228, %add3A_229 : i32
          %lt3A_231 = arith.cmpi slt, %add3A_230, %scan3A_11 : i32
          %convert_element_type3A_232 = arith.extui %lt3A_231 : i1 to i32
          %cond3A_233 = arith.constant 0 : i32
          %cond3A_234 = arith.cmpi ne, %convert_element_type3A_232, %cond3A_233 : i32
          scf.if %cond3A_234 {
            %slice3A = vector.extract_strided_slice %gather3A_158 {offsets = [4], sizes = [1], strides = [1]} : vector<16xi32> to vector<1xi32>
            %squeeze3A = vector.extract %slice3A[0] : i32 from vector<1xi32>
            %mul3A_235 = arith.constant 128 : i32
            %mul3A_236 = arith.muli %squeeze3A, %mul3A_235 : i32
            %multiple_of3A = tpu.assume_multiple %mul3A_236, 128 : i32
            %dma_start3A = arith.constant 9 : i32
            %dma_start3A_237 = arith.constant 0 : i32
            %dma_start3A_238 = arith.constant 0 : i32
            %dma_start3A_239 = tpu.memref_slice %arg10[%dma_start3A, %dma_start3A_237, %dma_start3A_238] : memref<10x64x128xf32, #tpu.memory_space<vmem>> -> memref<1x64x128xf32, #tpu.memory_space<vmem>>
            %dma_start3A_240 = tpu.memref_squeeze %dma_start3A_239 : memref<1x64x128xf32, #tpu.memory_space<vmem>> -> memref<64x128xf32, #tpu.memory_space<vmem>>
            %dma_start3A_241 = arith.constant 0 : i32
            %dma_start3A_242 = tpu.memref_slice %arg2[%dma_start3A_241, %multiple_of3A] : memref<64x1000000xf32, #tpu.memory_space<hbm>> -> memref<64x128xf32, #tpu.memory_space<hbm>>
            %dma_start3A_243 = arith.constant 0 : i32
            %dma_start3A_244 = arith.constant 0 : i32
            %dma_start3A_245 = tpu.memref_slice %arg10[%dma_start3A, %dma_start3A_243, %dma_start3A_244] : memref<10x64x128xf32, #tpu.memory_space<vmem>> -> memref<1x64x128xf32, #tpu.memory_space<vmem>>
            %dma_start3A_246 = tpu.memref_squeeze %dma_start3A_245 : memref<1x64x128xf32, #tpu.memory_space<vmem>> -> memref<64x128xf32, #tpu.memory_space<vmem>>
            %dma_start3A_247 = arith.constant 0 : i32
            %dma_start3A_248 = tpu.memref_slice %arg2[%dma_start3A_247, %multiple_of3A] : memref<64x1000000xf32, #tpu.memory_space<hbm>> -> memref<64x128xf32, #tpu.memory_space<hbm>>
            tpu.enqueue_dma source(%dma_start3A_248 : memref<64x128xf32, #tpu.memory_space<hbm>>) target(%dma_start3A_246 : memref<64x128xf32, #tpu.memory_space<vmem>>) target_semaphore(%arg16 : memref<!tpu.dma_semaphore, #tpu.memory_space<semaphore_mem>>)
          } else {
          }
        } else {
        }
      } else {
      }
      %add3A_118 = arith.constant 1 : i32
      %add3A_119 = arith.addi %while3A_70, %add3A_118 : i32
      %mul3A_120 = arith.constant 5 : i32
      %mul3A_121 = arith.muli %add3A_119, %mul3A_120 : i32
      %jit3A_122 = arith.constant 2 : i32
      %div3A_123 = arith.divsi %while3A_70, %jit3A_122 : i32
      %sign3A_124 = arith.constant 0 : i32
      %sign3A_125 = arith.cmpi sgt, %while3A_70, %sign3A_124 : i32
      %sign3A_126 = arith.extui %sign3A_125 : i1 to i32
      %sign3A_127 = arith.constant 0 : i32
      %sign3A_128 = arith.cmpi slt, %while3A_70, %sign3A_127 : i32
      %sign3A_129 = arith.extui %sign3A_128 : i1 to i32
      %sign3A_130 = arith.subi %sign3A_126, %sign3A_129 : i32
      %sign3A_131 = arith.constant 0 : i32
      %sign3A_132 = arith.cmpi sgt, %jit3A_122, %sign3A_131 : i32
      %sign3A_133 = arith.extui %sign3A_132 : i1 to i32
      %sign3A_134 = arith.constant 0 : i32
      %sign3A_135 = arith.cmpi slt, %jit3A_122, %sign3A_134 : i32
      %sign3A_136 = arith.extui %sign3A_135 : i1 to i32
      %sign3A_137 = arith.subi %sign3A_133, %sign3A_136 : i32
      %ne3A_138 = arith.cmpi ne, %sign3A_130, %sign3A_137 : i32
      %rem3A_139 = arith.remsi %while3A_70, %jit3A_122 : i32
      %ne3A_140 = arith.constant 0 : i32
      %ne3A_141 = arith.cmpi ne, %rem3A_139, %ne3A_140 : i32
      %and3A_142 = arith.andi %ne3A_138, %ne3A_141 : i1
      %sub3A_143 = arith.constant 1 : i32
      %sub3A_144 = arith.subi %div3A_123, %sub3A_143 : i32
      %select_n3A_145 = arith.select %and3A_142, %sub3A_144, %div3A_123 : i32
      %mul3A_146 = arith.constant 2 : i32
      %mul3A_147 = arith.muli %select_n3A_145, %mul3A_146 : i32
      %sub3A_148 = arith.subi %while3A_70, %mul3A_147 : i32
      %mul3A_149 = arith.constant 5 : i32
      %mul3A_150 = arith.muli %sub3A_148, %mul3A_149 : i32
      %while3A_151:2 = scf.while (%while3A_152 = %while3A_71, %while3A_153 = %while3A_72) : (i32, i32) -> (i32, i32) {
        %mul3A_154 = arith.constant 0 : i32
        %mul3A_155 = vector.broadcast %mul3A_154 : i32 to vector<16xi32>
        %mul3A_156 = arith.muli %iota3A, %mul3A_155 : vector<16xi32>
        %add3A_157 = vector.broadcast %while3A_152 : i32 to vector<16xi32>
        %add3A_158 = arith.addi %mul3A_156, %add3A_157 : vector<16xi32>
        %gather3A_159 = tpu.vector_load_idx %arg7[%add3A_158] : memref<528xi32, #tpu.memory_space<vmem>>[vector<16xi32>], vector<16xi32>,
        %slice3A = vector.extract_strided_slice %gather3A_159 {offsets = [0], sizes = [1], strides = [1]} : vector<16xi32> to vector<1xi32>
        %squeeze3A = vector.extract %slice3A[0] : i32 from vector<1xi32>
        %lt3A_160 = arith.constant 512 : i32
        %lt3A_161 = arith.cmpi slt, %while3A_152, %lt3A_160 : i32
        %lt3A_162 = arith.cmpi slt, %squeeze3A, %mul3A_121 : i32
        %and3A_163 = arith.andi %lt3A_161, %lt3A_162 : i1
        scf.condition(%and3A_163) %while3A_152, %while3A_153 : i32, i32
      } do {
      ^bb0(%while3A_152: i32, %while3A_153: i32):
        %mul3A_154 = arith.constant 0 : i32
        %mul3A_155 = vector.broadcast %mul3A_154 : i32 to vector<16xi32>
        %mul3A_156 = arith.muli %iota3A, %mul3A_155 : vector<16xi32>
        %add3A_157 = vector.broadcast %while3A_152 : i32 to vector<16xi32>
        %add3A_158 = arith.addi %mul3A_156, %add3A_157 : vector<16xi32>
        %gather3A_159 = tpu.vector_load_idx %arg7[%add3A_158] : memref<528xi32, #tpu.memory_space<vmem>>[vector<16xi32>], vector<16xi32>,
        %slice3A = vector.extract_strided_slice %gather3A_159 {offsets = [0], sizes = [1], strides = [1]} : vector<16xi32> to vector<1xi32>
        %squeeze3A = vector.extract %slice3A[0] : i32 from vector<1xi32>
        %mul3A_160 = arith.constant 0 : i32
        %mul3A_161 = vector.broadcast %mul3A_160 : i32 to vector<16xi32>
        %mul3A_162 = arith.muli %iota3A, %mul3A_161 : vector<16xi32>
        %add3A_163 = vector.broadcast %while3A_152 : i32 to vector<16xi32>
        %add3A_164 = arith.addi %mul3A_162, %add3A_163 : vector<16xi32>
        %gather3A_165 = tpu.vector_load_idx %arg6[%add3A_164] : memref<528xi32, #tpu.memory_space<vmem>>[vector<16xi32>], vector<16xi32>,
        %slice3A_166 = vector.extract_strided_slice %gather3A_165 {offsets = [0], sizes = [1], strides = [1]} : vector<16xi32> to vector<1xi32>
        %squeeze3A_167 = vector.extract %slice3A_166[0] : i32 from vector<1xi32>
        %mul3A_168 = arith.constant 0 : i32
        %mul3A_169 = vector.broadcast %mul3A_168 : i32 to vector<16xi32>
        %mul3A_170 = arith.muli %iota3A, %mul3A_169 : vector<16xi32>
        %add3A_171 = arith.addi %mul3A_150, %squeeze3A : i32
        %mul3A_172 = arith.constant 5 : i32
        %mul3A_173 = arith.muli %while3A_70, %mul3A_172 : i32
        %sub3A_174 = arith.subi %add3A_171, %mul3A_173 : i32
        %add3A_175 = vector.broadcast %sub3A_174 : i32 to vector<16xi32>
        %add3A_176 = arith.addi %mul3A_170, %add3A_175 : vector<16xi32>
        %mul3A_177 = arith.constant 0 : i32
        %mul3A_178 = vector.broadcast %mul3A_177 : i32 to vector<16xi32>
        %mul3A_179 = arith.muli %iota3A, %mul3A_178 : vector<16xi32>
        %jit3A_180 = arith.constant 128 : i32
        %div3A_181 = arith.divsi %squeeze3A_167, %jit3A_180 : i32
        %sign3A_182 = arith.constant 0 : i32
        %sign3A_183 = arith.cmpi sgt, %squeeze3A_167, %sign3A_182 : i32
        %sign3A_184 = arith.extui %sign3A_183 : i1 to i32
        %sign3A_185 = arith.constant 0 : i32
        %sign3A_186 = arith.cmpi slt, %squeeze3A_167, %sign3A_185 : i32
        %sign3A_187 = arith.extui %sign3A_186 : i1 to i32
        %sign3A_188 = arith.subi %sign3A_184, %sign3A_187 : i32
        %sign3A_189 = arith.constant 0 : i32
        %sign3A_190 = arith.cmpi sgt, %jit3A_180, %sign3A_189 : i32
        %sign3A_191 = arith.extui %sign3A_190 : i1 to i32
        %sign3A_192 = arith.constant 0 : i32
        %sign3A_193 = arith.cmpi slt, %jit3A_180, %sign3A_192 : i32
        %sign3A_194 = arith.extui %sign3A_193 : i1 to i32
        %sign3A_195 = arith.subi %sign3A_191, %sign3A_194 : i32
        %ne3A_196 = arith.cmpi ne, %sign3A_188, %sign3A_195 : i32
        %rem3A_197 = arith.remsi %squeeze3A_167, %jit3A_180 : i32
        %ne3A_198 = arith.constant 0 : i32
        %ne3A_199 = arith.cmpi ne, %rem3A_197, %ne3A_198 : i32
        %and3A_200 = arith.andi %ne3A_196, %ne3A_199 : i1
        %sub3A_201 = arith.constant 1 : i32
        %sub3A_202 = arith.subi %div3A_181, %sub3A_201 : i32
        %select_n3A_203 = arith.select %and3A_200, %sub3A_202, %div3A_181 : i32
        %mul3A_204 = arith.constant 128 : i32
        %mul3A_205 = arith.muli %select_n3A_203, %mul3A_204 : i32
        %sub3A_206 = arith.subi %squeeze3A_167, %mul3A_205 : i32
        %add3A_207 = vector.broadcast %sub3A_206 : i32 to vector<16xi32>
        %add3A_208 = arith.addi %mul3A_179, %add3A_207 : vector<16xi32>
        %mul3A_209 = arith.constant 0 : i32
        %mul3A_210 = vector.broadcast %mul3A_209 : i32 to vector<16xi32>
        %mul3A_211 = arith.muli %iota3A, %mul3A_210 : vector<16xi32>
        %jit3A_212 = arith.constant 256 : i32
        %div3A_213 = arith.divsi %while3A_152, %jit3A_212 : i32
        %sign3A_214 = arith.constant 0 : i32
        %sign3A_215 = arith.cmpi sgt, %while3A_152, %sign3A_214 : i32
        %sign3A_216 = arith.extui %sign3A_215 : i1 to i32
        %sign3A_217 = arith.constant 0 : i32
        %sign3A_218 = arith.cmpi slt, %while3A_152, %sign3A_217 : i32
        %sign3A_219 = arith.extui %sign3A_218 : i1 to i32
        %sign3A_220 = arith.subi %sign3A_216, %sign3A_219 : i32
        %sign3A_221 = arith.constant 0 : i32
        %sign3A_222 = arith.cmpi sgt, %jit3A_212, %sign3A_221 : i32
        %sign3A_223 = arith.extui %sign3A_222 : i1 to i32
        %sign3A_224 = arith.constant 0 : i32
        %sign3A_225 = arith.cmpi slt, %jit3A_212, %sign3A_224 : i32
        %sign3A_226 = arith.extui %sign3A_225 : i1 to i32
        %sign3A_227 = arith.subi %sign3A_223, %sign3A_226 : i32
        %ne3A_228 = arith.cmpi ne, %sign3A_220, %sign3A_227 : i32
        %rem3A_229 = arith.remsi %while3A_152, %jit3A_212 : i32
        %ne3A_230 = arith.constant 0 : i32
        %ne3A_231 = arith.cmpi ne, %rem3A_229, %ne3A_230 : i32
        %and3A_232 = arith.andi %ne3A_228, %ne3A_231 : i1
        %sub3A_233 = arith.constant 1 : i32
        %sub3A_234 = arith.subi %div3A_213, %sub3A_233 : i32
        %select_n3A_235 = arith.select %and3A_232, %sub3A_234, %div3A_213 : i32
        %mul3A_236 = arith.constant 256 : i32
        %mul3A_237 = arith.muli %select_n3A_235, %mul3A_236 : i32
        %sub3A_238 = arith.subi %while3A_152, %mul3A_237 : i32
        %add3A_239 = vector.broadcast %sub3A_238 : i32 to vector<16xi32>
        %add3A_240 = arith.addi %mul3A_211, %add3A_239 : vector<16xi32>
        %add3A_241 = arith.constant 0 : i32
        %add3A_242 = vector.broadcast %add3A_241 : i32 to vector<16xi32>
        %add3A_243 = arith.addi %iota3A, %add3A_242 : vector<16xi32>
        %gather3A_244 = tpu.vector_load_idx %arg10[%add3A_176, %add3A_243, %add3A_208] : memref<10x64x128xf32, #tpu.memory_space<vmem>>[vector<16xi32>, vector<16xi32>, vector<16xi32>], vector<16xf32>,
        %add3A_245 = arith.constant 0 : i32
        %add3A_246 = vector.broadcast %add3A_245 : i32 to vector<16xi32>
        %add3A_247 = arith.addi %iota3A, %add3A_246 : vector<16xi32>
        tpu.vector_store_idx %arg11[%add3A_240, %add3A_247], %gather3A_244 : memref<256x128xf32, #tpu.memory_space<vmem>>[vector<16xi32>, vector<16xi32>], vector<16xf32>,
        %add3A_248 = arith.constant 16 : i32
        %add3A_249 = vector.broadcast %add3A_248 : i32 to vector<16xi32>
        %add3A_250 = arith.addi %iota3A, %add3A_249 : vector<16xi32>
        %gather3A_251 = tpu.vector_load_idx %arg10[%add3A_176, %add3A_250, %add3A_208] : memref<10x64x128xf32, #tpu.memory_space<vmem>>[vector<16xi32>, vector<16xi32>, vector<16xi32>], vector<16xf32>,
        %add3A_252 = arith.constant 16 : i32
        %add3A_253 = vector.broadcast %add3A_252 : i32 to vector<16xi32>
        %add3A_254 = arith.addi %iota3A, %add3A_253 : vector<16xi32>
        tpu.vector_store_idx %arg11[%add3A_240, %add3A_254], %gather3A_251 : memref<256x128xf32, #tpu.memory_space<vmem>>[vector<16xi32>, vector<16xi32>], vector<16xf32>,
        %add3A_255 = arith.constant 32 : i32
        %add3A_256 = vector.broadcast %add3A_255 : i32 to vector<16xi32>
        %add3A_257 = arith.addi %iota3A, %add3A_256 : vector<16xi32>
        %gather3A_258 = tpu.vector_load_idx %arg10[%add3A_176, %add3A_257, %add3A_208] : memref<10x64x128xf32, #tpu.memory_space<vmem>>[vector<16xi32>, vector<16xi32>, vector<16xi32>], vector<16xf32>,
        %add3A_259 = arith.constant 32 : i32
        %add3A_260 = vector.broadcast %add3A_259 : i32 to vector<16xi32>
        %add3A_261 = arith.addi %iota3A, %add3A_260 : vector<16xi32>
        tpu.vector_store_idx %arg11[%add3A_240, %add3A_261], %gather3A_258 : memref<256x128xf32, #tpu.memory_space<vmem>>[vector<16xi32>, vector<16xi32>], vector<16xf32>,
        %add3A_262 = arith.constant 48 : i32
        %add3A_263 = vector.broadcast %add3A_262 : i32 to vector<16xi32>
        %add3A_264 = arith.addi %iota3A, %add3A_263 : vector<16xi32>
        %gather3A_265 = tpu.vector_load_idx %arg10[%add3A_176, %add3A_264, %add3A_208] : memref<10x64x128xf32, #tpu.memory_space<vmem>>[vector<16xi32>, vector<16xi32>, vector<16xi32>], vector<16xf32>,
        %add3A_266 = arith.constant 48 : i32
        %add3A_267 = vector.broadcast %add3A_266 : i32 to vector<16xi32>
        %add3A_268 = arith.addi %iota3A, %add3A_267 : vector<16xi32>
        tpu.vector_store_idx %arg11[%add3A_240, %add3A_268], %gather3A_265 : memref<256x128xf32, #tpu.memory_space<vmem>>[vector<16xi32>, vector<16xi32>], vector<16xf32>,
        %while3A_269 = scf.while (%while3A_272 = %while3A_153) : (i32) -> i32 {
          %add3A_273 = arith.constant 1 : i32
          %add3A_274 = arith.addi %while3A_272, %add3A_273 : i32
          %mul3A_275 = arith.constant 128 : i32
          %mul3A_276 = arith.muli %add3A_274, %mul3A_275 : i32
          %add3A_277 = arith.constant 1 : i32
          %add3A_278 = arith.addi %while3A_152, %add3A_277 : i32
          %le3A = arith.cmpi sle, %mul3A_276, %add3A_278 : i32
          scf.condition(%le3A) %while3A_272 : i32
        } do {
        ^bb0(%while3A_272: i32):
          %jit3A_273 = arith.constant 2 : i32
          %div3A_274 = arith.divsi %while3A_272, %jit3A_273 : i32
          %sign3A_275 = arith.constant 0 : i32
          %sign3A_276 = arith.cmpi sgt, %while3A_272, %sign3A_275 : i32
          %sign3A_277 = arith.extui %sign3A_276 : i1 to i32
          %sign3A_278 = arith.constant 0 : i32
          %sign3A_279 = arith.cmpi slt, %while3A_272, %sign3A_278 : i32
          %sign3A_280 = arith.extui %sign3A_279 : i1 to i32
          %sign3A_281 = arith.subi %sign3A_277, %sign3A_280 : i32
          %sign3A_282 = arith.constant 0 : i32
          %sign3A_283 = arith.cmpi sgt, %jit3A_273, %sign3A_282 : i32
          %sign3A_284 = arith.extui %sign3A_283 : i1 to i32
          %sign3A_285 = arith.constant 0 : i32
          %sign3A_286 = arith.cmpi slt, %jit3A_273, %sign3A_285 : i32
          %sign3A_287 = arith.extui %sign3A_286 : i1 to i32
          %sign3A_288 = arith.subi %sign3A_284, %sign3A_287 : i32
          %ne3A_289 = arith.cmpi ne, %sign3A_281, %sign3A_288 : i32
          %rem3A_290 = arith.remsi %while3A_272, %jit3A_273 : i32
          %ne3A_291 = arith.constant 0 : i32
          %ne3A_292 = arith.cmpi ne, %rem3A_290, %ne3A_291 : i32
          %and3A_293 = arith.andi %ne3A_289, %ne3A_292 : i1
          %sub3A_294 = arith.constant 1 : i32
          %sub3A_295 = arith.subi %div3A_274, %sub3A_294 : i32
          %select_n3A_296 = arith.select %and3A_293, %sub3A_295, %div3A_274 : i32
          %mul3A_297 = arith.constant 2 : i32
          %mul3A_298 = arith.muli %select_n3A_296, %mul3A_297 : i32
          %sub3A_299 = arith.subi %while3A_272, %mul3A_298 : i32
          %mul3A_300 = arith.constant 128 : i32
          %mul3A_301 = arith.muli %sub3A_299, %mul3A_300 : i32
          %multiple_of3A = tpu.assume_multiple %mul3A_301, 128 : i32
          %dma_start3A = arith.constant 0 : i32
          %dma_start3A_302 = tpu.memref_slice %arg11[%multiple_of3A, %dma_start3A] : memref<256x128xf32, #tpu.memory_space<vmem>> -> memref<128x128xf32, #tpu.memory_space<vmem>>
          %dma_start3A_303 = arith.constant 0 : i32
          %dma_start3A_304 = tpu.memref_slice %arg9[%while3A_272, %dma_start3A_303] : memref<4x128xi32, #tpu.memory_space<vmem>> -> memref<1x128xi32, #tpu.memory_space<vmem>>
          %dma_start3A_305 = tpu.memref_squeeze %dma_start3A_304 : memref<1x128xi32, #tpu.memory_space<vmem>> -> memref<128xi32, #tpu.memory_space<vmem>>
          %dma_start3A_306 = arith.constant 0 : i32
          %dma_start3A_307 = arith.constant 0 : i32
          %dma_start3A_308 = tpu.memref_slice %arg5[%dma_start3A_306, %dma_start3A_307] : memref<16384x128xf32, #tpu.memory_space<hbm>> -> memref<16384x128xf32, #tpu.memory_space<hbm>>
          tpu.enqueue_indirect_dma source(%dma_start3A_302 : memref<128x128xf32, #tpu.memory_space<vmem>>) target(%dma_start3A_308 : memref<16384x128xf32, #tpu.memory_space<hbm>>) offsets(%dma_start3A_305 : memref<128xi32, #tpu.memory_space<vmem>>) semaphore(%arg17 : memref<!tpu.dma_semaphore, #tpu.memory_space<semaphore_mem>>)
          %dma_wait3A = arith.constant 0 : i32
          %dma_wait3A_309 = tpu.memref_slice %arg11[%multiple_of3A, %dma_wait3A] : memref<256x128xf32, #tpu.memory_space<vmem>> -> memref<128x128xf32, #tpu.memory_space<vmem>>
          %dma_wait3A_310 = arith.constant 0 : i32
          %dma_wait3A_311 = tpu.memref_slice %arg9[%while3A_272, %dma_wait3A_310] : memref<4x128xi32, #tpu.memory_space<vmem>> -> memref<1x128xi32, #tpu.memory_space<vmem>>
          %dma_wait3A_312 = tpu.memref_squeeze %dma_wait3A_311 : memref<1x128xi32, #tpu.memory_space<vmem>> -> memref<128xi32, #tpu.memory_space<vmem>>
          %dma_wait3A_313 = arith.constant 0 : i32
          %dma_wait3A_314 = arith.constant 0 : i32
          %dma_wait3A_315 = tpu.memref_slice %arg5[%dma_wait3A_313, %dma_wait3A_314] : memref<16384x128xf32, #tpu.memory_space<hbm>> -> memref<16384x128xf32, #tpu.memory_space<hbm>>
          tpu.wait_indirect_dma semaphore(%arg17 : memref<!tpu.dma_semaphore, #tpu.memory_space<semaphore_mem>>) src(%dma_wait3A_309 : memref<128x128xf32, #tpu.memory_space<vmem>>) dst(%dma_wait3A_315 : memref<16384x128xf32, #tpu.memory_space<hbm>>)
          %add3A_316 = arith.constant 1 : i32
          %add3A_317 = arith.addi %while3A_272, %add3A_316 : i32
          scf.yield %add3A_317 : i32
        }
        %add3A_270 = arith.constant 1 : i32
        %add3A_271 = arith.addi %while3A_152, %add3A_270 : i32
        scf.yield %add3A_271, %while3A_269 : i32, i32
      }
      scf.yield %while3A_151#0, %while3A_151#1 : i32, i32
    }
    return
  }
}

module attributes {stable_mosaic.version = 14 : i64} {
  func.func @_mlp_block(%arg0: i32, %arg1: memref<2048x128xf32, #tpu.memory_space<vmem>>, %arg2: memref<64x256xf32, #tpu.memory_space<vmem>>, %arg3: memref<1x256xf32, #tpu.memory_space<vmem>>, %arg4: memref<1x256xf32, #tpu.memory_space<vmem>>, %arg5: memref<1x256xf32, #tpu.memory_space<vmem>>, %arg6: memref<1x256xf32, #tpu.memory_space<vmem>>, %arg7: memref<1x256xf32, #tpu.memory_space<vmem>>, %arg8: memref<256x256xf32, #tpu.memory_space<vmem>>, %arg9: memref<1x256xf32, #tpu.memory_space<vmem>>, %arg10: memref<2048x256xf32, #tpu.memory_space<vmem>>) attributes {dimension_semantics = [#tpu.dimension_semantics<arbitrary>], iteration_bounds = array<i64: 8>, scalar_prefetch = 0 : i64, scratch_operands = 0 : i64, tpu.core_type = #tpu.core_type<tc>, window_params = [{transform_indices = @transform_0, window_bounds = array<i64: 2048, 128>}, {pipeline_mode = #tpu.pipeline_mode<synchronous>, transform_indices = @transform_1, window_bounds = array<i64: 64, 256>}, {pipeline_mode = #tpu.pipeline_mode<synchronous>, transform_indices = @transform_2, window_bounds = array<i64: 1, 256>}, {pipeline_mode = #tpu.pipeline_mode<synchronous>, transform_indices = @transform_3, window_bounds = array<i64: 1, 256>}, {pipeline_mode = #tpu.pipeline_mode<synchronous>, transform_indices = @transform_4, window_bounds = array<i64: 1, 256>}, {pipeline_mode = #tpu.pipeline_mode<synchronous>, transform_indices = @transform_5, window_bounds = array<i64: 1, 256>}, {pipeline_mode = #tpu.pipeline_mode<synchronous>, transform_indices = @transform_6, window_bounds = array<i64: 1, 256>}, {pipeline_mode = #tpu.pipeline_mode<synchronous>, transform_indices = @transform_7, window_bounds = array<i64: 256, 256>}, {pipeline_mode = #tpu.pipeline_mode<synchronous>, transform_indices = @transform_8, window_bounds = array<i64: 1, 256>}, {transform_indices = @transform_9, window_bounds = array<i64: 2048, 256>}]} {
    %get3A = arith.constant 0 : index
    %get3A_0 = arith.constant 0 : index
    %get3A_1 = vector.load %arg1[%get3A, %get3A_0] : memref<2048x128xf32, #tpu.memory_space<vmem>>, vector<2048x128xf32>
    %slice3A = vector.extract_strided_slice %get3A_1 {offsets = [0, 0], sizes = [2048, 64], strides = [1, 1]} : vector<2048x128xf32> to vector<2048x64xf32>
    %get3A_2 = arith.constant 0 : index
    %get3A_3 = arith.constant 0 : index
    %get3A_4 = vector.load %arg2[%get3A_2, %get3A_3] : memref<64x256xf32, #tpu.memory_space<vmem>>, vector<64x256xf32>
    %dot_general3A = arith.constant dense<0.000000e+00> : vector<2048x256xf32>
    %dot_general3A_5 = tpu.matmul %slice3A, %get3A_4, %dot_general3A {dimension_numbers = #tpu.dot_dimension_numbers<[1], [0], [0], [1], [0, 0, 1, 1], [], []>, transpose_lhs_hint = false} : vector<2048x64xf32>, vector<64x256xf32>, vector<2048x256xf32> -> vector<2048x256xf32>
    %get3A_6 = arith.constant 0 : index
    %get3A_7 = arith.constant 0 : index
    %get3A_8 = vector.load %arg3[%get3A_6, %get3A_7] : memref<1x256xf32, #tpu.memory_space<vmem>>, vector<1x256xf32>
    %add3A = vector.broadcast %get3A_8 : vector<1x256xf32> to vector<2048x256xf32>
    %add3A_9 = arith.addf %dot_general3A_5, %add3A : vector<2048x256xf32>
    %max3A = arith.constant 0.000000e+00 : f32
    %max3A_10 = vector.broadcast %max3A : f32 to vector<2048x256xf32>
    %max3A_11 = arith.maximumf %add3A_9, %max3A_10 : vector<2048x256xf32>
    %get3A_12 = arith.constant 0 : index
    %get3A_13 = arith.constant 0 : index
    %get3A_14 = vector.load %arg4[%get3A_12, %get3A_13] : memref<1x256xf32, #tpu.memory_space<vmem>>, vector<1x256xf32>
    %get3A_15 = arith.constant 0 : index
    %get3A_16 = arith.constant 0 : index
    %get3A_17 = vector.load %arg7[%get3A_15, %get3A_16] : memref<1x256xf32, #tpu.memory_space<vmem>>, vector<1x256xf32>
    %add3A_18 = arith.constant 9.99999974E-6 : f32
    %add3A_19 = vector.broadcast %add3A_18 : f32 to vector<1x256xf32>
    %add3A_20 = arith.addf %get3A_17, %add3A_19 : vector<1x256xf32>
    %rsqrt3A = math.rsqrt %add3A_20 : vector<1x256xf32>
    %mul3A = arith.mulf %get3A_14, %rsqrt3A : vector<1x256xf32>
    %get3A_21 = arith.constant 0 : index
    %get3A_22 = arith.constant 0 : index
    %get3A_23 = vector.load %arg5[%get3A_21, %get3A_22] : memref<1x256xf32, #tpu.memory_space<vmem>>, vector<1x256xf32>
    %get3A_24 = arith.constant 0 : index
    %get3A_25 = arith.constant 0 : index
    %get3A_26 = vector.load %arg6[%get3A_24, %get3A_25] : memref<1x256xf32, #tpu.memory_space<vmem>>, vector<1x256xf32>
    %mul3A_27 = arith.mulf %get3A_26, %mul3A : vector<1x256xf32>
    %sub3A = arith.subf %get3A_23, %mul3A_27 : vector<1x256xf32>
    %mul3A_28 = vector.broadcast %mul3A : vector<1x256xf32> to vector<2048x256xf32>
    %mul3A_29 = arith.mulf %max3A_11, %mul3A_28 : vector<2048x256xf32>
    %add3A_30 = vector.broadcast %sub3A : vector<1x256xf32> to vector<2048x256xf32>
    %add3A_31 = arith.addf %mul3A_29, %add3A_30 : vector<2048x256xf32>
    %get3A_32 = arith.constant 0 : index
    %get3A_33 = arith.constant 0 : index
    %get3A_34 = vector.load %arg8[%get3A_32, %get3A_33] : memref<256x256xf32, #tpu.memory_space<vmem>>, vector<256x256xf32>
    %dot_general3A_35 = arith.constant dense<0.000000e+00> : vector<2048x256xf32>
    %dot_general3A_36 = tpu.matmul %add3A_31, %get3A_34, %dot_general3A_35 {dimension_numbers = #tpu.dot_dimension_numbers<[1], [0], [0], [1], [0, 0, 1, 1], [], []>, transpose_lhs_hint = false} : vector<2048x256xf32>, vector<256x256xf32>, vector<2048x256xf32> -> vector<2048x256xf32>
    %get3A_37 = arith.constant 0 : index
    %get3A_38 = arith.constant 0 : index
    %get3A_39 = vector.load %arg9[%get3A_37, %get3A_38] : memref<1x256xf32, #tpu.memory_space<vmem>>, vector<1x256xf32>
    %add3A_40 = vector.broadcast %get3A_39 : vector<1x256xf32> to vector<2048x256xf32>
    %add3A_41 = arith.addf %dot_general3A_36, %add3A_40 : vector<2048x256xf32>
    %max3A_42 = arith.constant 0.000000e+00 : f32
    %max3A_43 = vector.broadcast %max3A_42 : f32 to vector<2048x256xf32>
    %max3A_44 = arith.maximumf %add3A_41, %max3A_43 : vector<2048x256xf32>
    %swap3A = arith.constant 0 : index
    %swap3A_45 = arith.constant 0 : index
    %swap3A_46 = vector.load %arg10[%swap3A, %swap3A_45] : memref<2048x256xf32, #tpu.memory_space<vmem>>, vector<2048x256xf32>
    tpu.vector_store %arg10[%swap3A, %swap3A_45], %max3A_44 {strides = array<i32>} : memref<2048x256xf32, #tpu.memory_space<vmem>>, vector<2048x256xf32>,
    return
  }
  func.func @transform_0(%arg0: i32) -> (i32, i32) {
    %c0_i32 = arith.constant 0 : i32
    %c0_i32_0 = arith.constant 0 : i32
    return %arg0, %c0_i32 : i32, i32
  }
  func.func @transform_1(%arg0: i32) -> (i32, i32) {
    %c0_i32 = arith.constant 0 : i32
    %c0_i32_0 = arith.constant 0 : i32
    %c0_i32_1 = arith.constant 0 : i32
    return %c0_i32, %c0_i32_0 : i32, i32
  }
  func.func @transform_2(%arg0: i32) -> (i32, i32) {
    %c0_i32 = arith.constant 0 : i32
    %c0_i32_0 = arith.constant 0 : i32
    %c0_i32_1 = arith.constant 0 : i32
    return %c0_i32, %c0_i32_0 : i32, i32
  }
  func.func @transform_3(%arg0: i32) -> (i32, i32) {
    %c0_i32 = arith.constant 0 : i32
    %c0_i32_0 = arith.constant 0 : i32
    %c0_i32_1 = arith.constant 0 : i32
    return %c0_i32, %c0_i32_0 : i32, i32
  }
  func.func @transform_4(%arg0: i32) -> (i32, i32) {
    %c0_i32 = arith.constant 0 : i32
    %c0_i32_0 = arith.constant 0 : i32
    %c0_i32_1 = arith.constant 0 : i32
    return %c0_i32, %c0_i32_0 : i32, i32
  }
  func.func @transform_5(%arg0: i32) -> (i32, i32) {
    %c0_i32 = arith.constant 0 : i32
    %c0_i32_0 = arith.constant 0 : i32
    %c0_i32_1 = arith.constant 0 : i32
    return %c0_i32, %c0_i32_0 : i32, i32
  }
  func.func @transform_6(%arg0: i32) -> (i32, i32) {
    %c0_i32 = arith.constant 0 : i32
    %c0_i32_0 = arith.constant 0 : i32
    %c0_i32_1 = arith.constant 0 : i32
    return %c0_i32, %c0_i32_0 : i32, i32
  }
  func.func @transform_7(%arg0: i32) -> (i32, i32) {
    %c0_i32 = arith.constant 0 : i32
    %c0_i32_0 = arith.constant 0 : i32
    %c0_i32_1 = arith.constant 0 : i32
    return %c0_i32, %c0_i32_0 : i32, i32
  }
  func.func @transform_8(%arg0: i32) -> (i32, i32) {
    %c0_i32 = arith.constant 0 : i32
    %c0_i32_0 = arith.constant 0 : i32
    %c0_i32_1 = arith.constant 0 : i32
    return %c0_i32, %c0_i32_0 : i32, i32
  }
  func.func @transform_9(%arg0: i32) -> (i32, i32) {
    %c0_i32 = arith.constant 0 : i32
    %c0_i32_0 = arith.constant 0 : i32
    return %arg0, %c0_i32 : i32, i32
  }
}

</mosaic_0001>

<sc_bundles>
// kernel: kernel.4.cloned.1.call-start
scs
__scs_entry_jumppad:
0x0: {  	(pc) =	sbr.rel $0x88, $3  }
0x1: {  	(tag) =	ssettag $0x0;
	lr =	simm.s32 $0x1  }
0x2: {  	[smem:$0x3F97] =	sst lr;
	_ =	strace $0xD0000000  }
0x3: {  	_ = 	snop  }
0x4: {  	_ = 	snop  }
0x5: {  	_ = 	snop  }
0x6: {  	_ = 	snop  }
0x7: {  	_ = 	snop  }
__scs_overlays_trampoline_lowered:
0x8: {  	[smem:$0x3FA6] =	sst s0  }
0x9: {  	[smem:$0x3FA7] =	sst s1  }
0xa: {  	[smem:$0x3FA8] =	sst s2  }
0xb: {  	[smem:$0x3FA9] =	sst s3  }
0xc: {  	[smem:$0x3FAA] =	sst s4  }
0xd: {  	[smem:$0x3FAB] =	sst s5  }
0xe: {  	[smem:$0x3FAC] =	sst s6  }
0xf: {  	[smem:$0x3FAD] =	sst s7  }
0x10: {  	[smem:$0x3FAE] =	sst s8  }
0x11: {  	[smem:$0x3FAF] =	sst s9;
	s0 =	simm.s32 @!p0 $0x0  }
0x12: {  	s1 =	sld [smem:$0x3F95];
	s0 =	simm.s32 @p0 $0x1  }
0x13: {  	[smem:$0x3FB0] =	sst s0;
	s0 =	simm.s32 @!p1 $0x0  }
0x14: {  	s2 =	sld [smem:$0x3F94];
	s0 =	simm.s32 @p1 $0x1  }
0x15: {  	[smem:$0x3FB1] =	sst s0;
	s0 =	simm.s32 @!p2 $0x0  }
0x16: {  	s3 =	sld [smem:$0x3FDB];
	s0 =	simm.s32 @p2 $0x1  }
0x17: {  	s4 =	simm.s32 $0x1BF5;
	[smem:$0x3FB3] =	sst s0  }
0x18: {  	s0 =	sld [smem:$0x3F96];
	_ =	swait.ge [sflag:s4], $0x0  }
0x19: {  	s7 =	sld [smem:$0x3F97]  }
0x1a: {  	s8 =	sadd.s32 $0xFFFFE003, lr  }
0x1b: {  	s9 =	sadd.s32 $0xFFFFFEF7, lr;
	s5 =	simm.s32 $0xFFFFFFFF;
	p2 =	slt.u32 s8, $0xFFFFF086  }
0x1c: {  	p1 =	slt.u32 s9, $0xF7A;
	s5 =	simm.s32 @!p2 $0x0  }
0x1d: {  	s5 =	simm.s32 @p1 $0x1;
	p0 =	seq.s32 s7, s2  }
0x1e: {  	s7 =	smul.u32 @!p0 $0xF7A, s2;
	p2 =	seq.s32 @!p0 s5, $0x0  }
0x1f: {  	s9 =	smul.u32 $0xF7A, s1;
	s8 =	simm.s32 @!p0 $0x1BF5;
	p2 =	por !p2, p0  }
0x20: {  	[sflag:s8] =	ssyncset.s32 @!p0 $0xFFFFF086;
	s6 =	sadd.s32 @!p0 s3, s7;
	s7 =	simm.s32 @!p0 $0x108  }
0x21: {  	s3 =	sadd.s32 s3, s9;
	s6 =	sadd.s32 @!p0 $0x88, s6;
	s7 =	simm.s32 @p2 $0x1082  }
0x22: {  	[simem:s7], [sflag:s8] =	dma.local @!p0 [hbm:s6], $0xF7A  }
0x23: {  	s9 =	sor.u32 $0xD0000000, s2;
	s6 =	simm.s32 $0x108;
	_ =	swait.ge @!p0 [sflag:s8], $0x0  }
0x24: {  	s3 =	sadd.s32 $0x88, s3;
	s6 =	simm.s32 @!p1 $0x1082;
	[sflag:s4] =	ssyncset.s32 $0xFFFFF086  }
0x25: {  	[simem:s6], [sflag:s4] =	dma.local [hbm:s3], $0xF7A  }
0x26: {  	[smem:$0x3F97] =	sst s1;
	(tag) =	ssettag s2;
	_ =	strace s9  }
0x27: {  	s1 =	sld [smem:$0x3FA7]  }
0x28: {  	s2 =	sld [smem:$0x3FA8]  }
0x29: {  	s4 =	sld [smem:$0x3FAA]  }
0x2a: {  	p0 =	seq.s32 s5, $0x0;
	s5 =	sld [smem:$0x3FAB]  }
0x2b: {  	s6 =	sld [smem:$0x3FAC]  }
0x2c: {  	s7 =	sld [smem:$0x3FAD]  }
0x2d: {  	s3 =	simm.s32 $0x108;
	s8 =	sld [smem:$0x3FAE]  }
0x2e: {  	s3 =	simm.s32 @!p0 $0x1082;
	s9 =	sld [smem:$0x3FAF]  }
0x2f: {  	lr =	sadd.s32 s0, s3;
	s0 =	sld [smem:$0x3FA6]  }
0x30: {  	s3 =	sld [smem:$0x3FA9]  }
0x31: {  	[smem:$0x3FB2] =	sst s10  }
0x32: {  	s10 =	sld [smem:$0x3FB0];
	_ =	sdelay $0x3  }
0x33: {  	p0 =	seq.s32 s10, $0x1;
	s10 =	sld [smem:$0x3FB2];
	_ =	sdelay $0x3  }
0x34: {  	[smem:$0x3FB2] =	sst s10  }
0x35: {  	s10 =	sld [smem:$0x3FB1];
	_ =	sdelay $0x3  }
0x36: {  	p1 =	seq.s32 s10, $0x1;
	s10 =	sld [smem:$0x3FB2];
	_ =	sdelay $0x3  }
0x37: {  	[smem:$0x3FB2] =	sst s10  }
0x38: {  	s10 =	sld [smem:$0x3FB3]  }
0x39: {  	_ = 	snop;
	(pc) =	sbr.ind lr, $3  }
0x3a: {  	_ = 	snop  }
0x3b: {  	_ = 	snop  }
0x3c: {  	p2 =	seq.s32 s10, $0x1;
	s10 =	sld [smem:$0x3FB2]  }
0x3d: {  	_ =	shalt  }
0x3e: {  	_ =	shalt  }
0x3f: {  	_ =	shalt  }
0x40: {  	_ =	shalt  }
0x41: {  	_ =	shalt  }
0x42: {  	_ =	shalt  }
0x43: {  	_ =	shalt  }
0x44: {  	_ =	shalt  }
0x45: {  	_ =	shalt  }
0x46: {  	_ =	shalt  }
0x47: {  	_ =	shalt  }
0x48: {  	_ =	shalt  }
0x49: {  	_ =	shalt  }
0x4a: {  	_ =	shalt  }
0x4b: {  	_ =	shalt  }
0x4c: {  	_ =	shalt  }
0x4d: {  	_ =	shalt  }
0x4e: {  	_ =	shalt  }
0x4f: {  	_ =	shalt  }
0x50: {  	_ =	shalt  }
0x51: {  	_ =	shalt  }
0x52: {  	_ =	shalt  }
0x53: {  	_ =	shalt  }
0x54: {  	_ =	shalt  }
0x55: {  	_ =	shalt  }
0x56: {  	_ =	shalt  }
0x57: {  	_ =	shalt  }
0x58: {  	_ =	shalt  }
0x59: {  	_ =	shalt  }
0x5a: {  	_ =	shalt  }
0x5b: {  	_ =	shalt  }
0x5c: {  	_ =	shalt  }
0x5d: {  	_ =	shalt  }
0x5e: {  	_ =	shalt  }
0x5f: {  	_ =	shalt  }
0x60: {  	_ =	shalt  }
0x61: {  	_ =	shalt  }
0x62: {  	_ =	shalt  }
0x63: {  	_ =	shalt  }
0x64: {  	_ =	shalt  }
0x65: {  	_ =	shalt  }
0x66: {  	_ =	shalt  }
0x67: {  	_ =	shalt  }
0x68: {  	_ =	shalt  }
0x69: {  	_ =	shalt  }
0x6a: {  	_ =	shalt  }
0x6b: {  	_ =	shalt  }
0x6c: {  	_ =	shalt  }
0x6d: {  	_ =	shalt  }
0x6e: {  	_ =	shalt  }
0x6f: {  	_ =	shalt  }
0x70: {  	_ =	shalt  }
0x71: {  	_ =	shalt  }
0x72: {  	_ =	shalt  }
0x73: {  	_ =	shalt  }
0x74: {  	_ =	shalt  }
0x75: {  	_ =	shalt  }
0x76: {  	_ =	shalt  }
0x77: {  	_ =	shalt  }
0x78: {  	_ =	shalt  }
0x79: {  	_ =	shalt  }
0x7a: {  	_ =	shalt  }
0x7b: {  	_ =	shalt  }
0x7c: {  	_ =	shalt  }
0x7d: {  	_ =	shalt  }
0x7e: {  	_ =	shalt  }
0x7f: {  	_ =	shalt  }
0x80: {  	_ =	shalt  }
0x81: {  	_ =	shalt  }
0x82: {  	_ =	shalt  }
0x83: {  	_ =	shalt  }
0x84: {  	_ =	shalt  }
0x85: {  	_ =	shalt  }
0x86: {  	_ =	shalt  }
0x87: {  	_ =	shalt  }
.Lfunc_end0:
.L_simem_size_0:
called_computation_lowered:
.L_overlay_start_0:
0x88: {  	s2 =	sld [smem:$0x3FD9]  }
0x89: {  	s3 =	sld [smem:$0x3FFE];
	_ =	sdelay $0x1  }
0x8a: {  	s1 =	srdreg.scid  }
0x8b: {  	s0 =	sand.u32 $0x1, s1  }
0x8c: {  	s17 =	sshll.u32 s0, $0xA;
	s2 =	sadd.s32 s3, s2  }
0x8d: {  	s2 =	sadd.s32 s2, s17  }
0x8e: {  	[smem:$0x3FBE] =	sst s2  }
0x8f: {  	_ = 	snop  }
0x90: {  	s2 =	sld [smem:$0x3FC8]  }
0x91: {  	s18 =	sld [smem:$0x3FD0];
	(tm) =	ssettm $0x1  }
0x92: {  	s4 =	sld [smem:$0x3FFB];
	_ =	sdelay $0x3  }
0x93: {  	_ =	strace s4  }
0x94: {  	s4 =	sld [smem:$0x3FFC];
	_ =	sdelay $0x3  }
0x95: {  	_ =	strace s4  }
0x96: {  	s4 =	sld [smem:$0x3FFD];
	_ =	sdelay $0x3  }
0x97: {  	_ =	strace s4  }
0x98: {  	_ =	strace $0x8FFFFFFF  }
0x99: {  	s19 =	sld [smem:$0x3FDB];
	_ =	sdelay $0x1  }
0x9a: {  	s5 =	simm.s32 $_scs_section_size  }
0x9b: {  	s6 =	simm.s32 $_size__tile_overlayer_lowered;
	s7 =	simm.s32 $_tile_overlayer_lowered  }
0x9c: {  	s22 =	simm.s32 $0x1BFF;
	s21 =	sshll.u32 s7, $0x1;
	s4 =	sadd.s32 s5, s19  }
0x9d: {  	s8 =	simm.s32 $0x0;
	s20 =	sshll.u32 s6, $0x1;
	s6 =	sadd.s32 s21, s4  }
0x9e: {  	[timem:s8], [sflag:s22] =	dma.local [hbm:s6], s20  }
0x9f: {  	_ =	swait.ge [sflag:s22], s20  }
0xa0: {  	s5 =	ssub.s32 $0x0, s20;
	[sflag:s22] =	ssyncset.done $0x0  }
0xa1: {  	[sflag:s22] =	ssyncadd.s32 s5;
	_ =	sdelay $0x1  }
0xa2: {  	s23 =	simm.s32 $0x1B8B  }
0xa3: {  	_ =	swait.ge [sflag:s23], $0x1  }
0xa4: {  	[sflag:s23] =	ssyncset.done $0x0  }
0xa5: {  	s25 =	simm.s32 $0x1B8E;
	s24 =	sld [smem:$0x3FFE];
	[sflag:s23] =	ssyncadd.s32 $0xFFFFFFFF  }
0xa6: {  	s26 =	simm.s32 $execute0_lowered;
	[smem:$0x3FD2] =	sst s25  }
0xa7: {  	s6 =	sshll.u32 s26, $0x1;
	_ =	strace $0x80000046;
	[dreg:$0x1] =	wrdreg $0xFFFFFFFF  }
0xa8: {  	s28 =	simm.s32 $_size_execute0_lowered;
	s4 =	sadd.s32 s4, s6;
	[dreg:$0x0] =	wrdreg $0x0  }
0xa9: {  	s6 =	sshll.u32 s28, $0x1;
	[dreg:$0x2] =	wrdreg s4  }
0xaa: {  	[dreg:$0x3] =	wrdreg s6  }
0xab: {  	[dreg:$0x4] =	wrdreg $0xC0  }
0xac: {  	_ =	task [dreg:s8], $0x5FFFF  }
0xad: {  	[dreg:$0x1] =	wrdreg $0xFFFFFFFF  }
0xae: {  	[dreg:$0x0] =	wrdreg $0x60  }
0xaf: {  	[dreg:$0x2] =	wrdreg s2  }
0xb0: {  	[dreg:$0x3] =	wrdreg s24  }
0xb1: {  	[dreg:$0x4] =	wrdreg s18  }
0xb2: {  	[dreg:$0x5] =	wrdreg $0x9  }
0xb3: {  	_ =	task.clear_ibuf [dreg:s8], $0x6FFFF;
	_ =	strace $0x90000046  }
0xb4: {  	s29 =	simm.s32 $0x9;
	_ =	strace $0x80000048  }
0xb5: {  	_ =	swait.ge [sflag:s29], $0x1  }
0xb6: {  	[sflag:s29] =	ssyncadd.s32 $0xFFFFFFFF  }
0xb7: {  	_ =	strace $0x90000048  }
0xb8: {  	_ =	sfence  }
0xb9: {  	s30 =	sld [smem:$0x0];
	_ =	sdelay $0x2  }
0xba: {  	s31 =	sshll.u32 s1, $0xD;
	s1 =	sshrl.u32 s1, $0x2  }
0xbb: {  	s3 =	sand.u32 $0x4000, s31;
	s1 =	sadd.s32 s1, s30  }
0xbc: {  	s0 =	sor.u32 s3, s0;
	s1 =	sshll.u32 s1, $0x11  }
0xbd: {  	s0 =	sor.u32 s1, s0  }
0xbe: {  	s0 =	sadd.s32 $0x8F2B, s0  }
0xbf: {  	[sflag:s0] =	ssyncadd.remote.s32 $0x1  }
0xc0: {  	_ =	sfence.sel $0xFFFF  }
0xc1: {  	[dreg:$0x0] =	wrdreg $0xFFFFFFFF;
	(pc) =	sbr.abs _section_cstart, $3  }
0xc2: {  	[dreg:$0x1] =	wrdreg $0xFFFFFFFF  }
0xc3: {  	_ =	task.clear_ibuf [dreg:s8], $0x2FFFF;
	_ =	strace $0x9FFFFFFF  }
0xc4: {  	(tm) =	ssettm $0x7FFFFFFF  }
0xc5: {  	_ =	shalt  }
tec
execute0_lowered:
.L_overlay_start_1:
0x0: {  	(tag) =	ssettag $0x1  }
0x1: {  	s1 =	rddreg [dreg:$0x0]  }
0x2: {  	s5 =	rddreg [dreg:$0x1]  }
0x3: {  	s2 =	rddreg [dreg:$0x2];
	s4 =	simm.s32 $0x0  }
0x4: {  	s6 =	srdreg.scid;
	s0 =	stileid.u32;
	s11 =	simm.s32 $0x400  }
0x5: {  	s12 =	simm.s32 $0x7A1400;
	s13 =	simm.s32 $0x280;
	s14 =	simm.s32 $0x980  }
0x6: {  	s15 =	simm.s32 $0x14980;
	s16 =	simm.s32 $0x80;
	s17 =	simm.s32 $0x6  }
0x7: {  	s18 =	simm.s32 $0x2980;
	s19 =	simm.s32 $0x0;
	[smem:$0x7FF] =	sst s4  }
0x8: {  	s6 =	sand.u32 $0x1, s6;
	s7 =	sshll.u32 s0, $0x7;
	_ =	strace $0x80000047  }
.Ltmp0:
0x9: {  	s8 =	sshll.u32 s6, $0x6;
	s6 =	ssub.s32 $0x2, s6;
	(pc) =	sbr.rel .LBB2_1-.Ltmp0, $4  }
0xa: {  	v0 =	vlaneseq.u32;
	v2 =	vimm.s32 $0x40000000;
	s9 =	sor.u32 s8, s7;
	s8 =	sadd.s32 s8, s5;
	s10 =	sshrl.u32 s6, $0x1  }
0xb: {  	v3 =	vimm.s32 $0x0;
	v1 =	vmul.u32 $0x80, v0;
	v4 =	vadd.s32 $0xFFFFFFFF, v0;
	s5 =	sadd.s32 s9, s5;
	s30 =	ssub.s32 s6, s10;
	s31 =	sadd.s32 s7, s8  }
0xc: {  	v6 =	vor.u32 $0x10, v0;
	v8 =	vor.u32 $0x20, v0;
	v10 =	vor.u32 $0x30, v0;
	s8 =	simm.s32 $0x7;
	s9 =	simm.s32 $0x780;
	s10 =	simm.s32 $0x500  }
0xd: {  	v5 =	vor.u32 $0x800, v1;
	v7 =	vor.u32 $0x1000, v1;
	v9 =	vor.u32 $0x1800, v1;
	s5 =	sadd.s32 $0x800, s5;
	s6 =	sadd.s32 $0x1000, s31;
	s7 =	smax.u32 s30, $0x1  }
.LBB2_6:
0xe: {  	s19 =	sadd.s32 $0x1, s19  }
0xf: {  	p0 =	sne.s32 s19, s7  }
.Ltmp1:
0x10: {  	_ = 	snop;
	(pc) =	sbr.rel @!p0 .LBB2_7-.Ltmp1, $1  }
0x11: {  	_ =	sdelay $0x3  }
.LBB2_1:
0x12: {  	[tilespmem:s4], [sflag:$0x7] =	stream.linear.gather [hbm4b:s5+s4], $0x200, $0x38;
	[tilespmem:$0x1C980] =	vst v63  }
0x13: {  	_ =	swait.ge [sflag:s8], $0x200  }
0x14: {  	[sflag:s8] =	ssyncset.done $0x0  }
0x15: {  	v11 =	vadd.s32 s4, v4;
	[sflag:s8] =	ssyncadd.s32 $0xFFFFFE00  }
0x16: {  	vm0 =	vgt.s32 v11, $0x0;
	[tilespmem:s9], [sflag:$0x7] =	stream.linear.gather [hbm4b:s6+s4], $0x200, $0x38;
	[tilespmem:$0x1C980] =	vst v63  }
0x17: {  	v11 =	vnsel vm0, $0x0, v11;
	_ =	swait.ge [sflag:s8], $0x200  }
0x18: {  	[sflag:s8] =	ssyncset.done $0x0  }
0x19: {  	[sflag:s8] =	ssyncadd.s32 $0xFFFFFE00  }
0x1a: {  	[tilespmem:$0x480] =	vst v2  }
0x1b: {  	v12 =	vld [tilespmem:s4+$0x0]  }
0x1c: {  	v11 =	vld.idx.msk [tilespmem:v11+s4+$0x0], $0xffff;
	_ =	sdelay $0x3  }
0x1d: {  	v13 =	vshra.s32 v12, $0x1F;
	v14 =	vand.u32 $0x7F, v12;
	vm0 =	vlt.s32 v12, $0x1  }
0x1e: {  	v13 =	vshrl.u32 v13, $0x19;
	vm1 =	vne.s32 v14, $0x0;
	v14 =	vand.u32 $0x7F, v11  }
0x1f: {  	v12 =	vadd.s32 v13, v12;
	vm0 =	vmand vm0, vm1;
	v13 =	vshra.s32 v11, $0x1F  }
0x20: {  	vm1 =	vlt.s32 v11, $0x1;
	vm2 =	vne.s32 v14, $0x0;
	v13 =	vshrl.u32 v13, $0x19  }
0x21: {  	v12 =	vshra.s32 v12, $0x7;
	vm1 =	vmand vm1, vm2;
	v11 =	vadd.s32 v13, v11  }
0x22: {  	v13 =	vsel vm0, $0xFFFFFFFF, v3;
	v15 =	vsel vm1, $0xFFFFFFFF, v3;
	v14 =	vshra.s32 v11, $0x7  }
0x23: {  	v16 =	vmov s4;
	v11 =	vadd.s32 v13, v12;
	v12 =	vadd.s32 v15, v14  }
0x24: {  	vm1 =	veq.s32 v16, v0;
	vm0 =	vne.s32 v11, v12  }
0x25: {  	vm0 =	vmor vm1, vm0  }
0x26: {  	v12 =	vsel vm0, $0x1, v3  }
0x27: {  	(xrf0) =	vadd.scan.msk.s32 $0xffff, v12;
	_ =	sdelay $0x2  }
0x28: {  	v12 =	vmov s4  }
0x29: {  	v12 =	vadd.s32 $0xFFFFFFFF, v12  }
0x2a: {  	v12 =	vbroadcast v12, $0x0  }
0x2b: {  	v13, _, _ =	vpop (xrf0)  }
0x2c: {  	s22 =	simm.s32 $0x10;
	s24 =	simm.s32 $0x20;
	v12 =	vadd.s32 v13, v12;
	(v2sf) =	vpush v13, $0xF  }
0x2d: {  	s23 =	simm.s32 $0x0;
	s21 =	simm.s32 $0x0;
	s20 =	simm.s32 $0x280;
	v13 =	vadd.s32 s22, v4;
	[tilespmem:s13+$0x0] =	vst v12  }
.LBB2_2:
0x2e: {  	p0 =	sne.s32 s24, $0x1F0;
	vm1 =	vgt.s32 v13, $0x0  }
0x2f: {  	v13 =	vnsel vm1, $0x0, v13;
	_ =	sdelay $0x1  }
0x30: {  	s23 =	sadd.s32 $0x10, s23;
	[tilespmem:v12+s10+$0x0] =	vst.idx.msk vm0, v11  }
0x31: {  	v11 =	vld [tilespmem:s23+$0x0];
	_ =	sdelay $0x1  }
0x32: {  	v12 =	vld.idx.msk [tilespmem:v13+s4+$0x0], $0xffff;
	_ =	sdelay $0x2  }
0x33: {  	v13 =	vshra.s32 v11, $0x1F;
	v14 =	vand.u32 $0x7F, v11  }
0x34: {  	vm0 =	vlt.s32 v11, $0x1;
	v13 =	vshrl.u32 v13, $0x19;
	vm1 =	vne.s32 v14, $0x0  }
0x35: {  	v11 =	vadd.s32 v13, v11;
	vm0 =	vmand vm0, vm1;
	v13 =	vmov s22;
	s22 =	smov.u32 s24  }
0x36: {  	v14 =	vshra.s32 v12, $0x1F;
	v15 =	vand.u32 $0x7F, v12;
	v11 =	vshra.s32 v11, $0x7  }
0x37: {  	vm1 =	vlt.s32 v12, $0x1;
	v14 =	vshrl.u32 v14, $0x19;
	vm2 =	vne.s32 v15, $0x0;
	s25 =	spop (v2sf)  }
0x38: {  	v15 =	vsel vm0, $0xFFFFFFFF, v3;
	v12 =	vadd.s32 v14, v12;
	vm0 =	vmand vm1, vm2;
	s21 =	sadd.s32 s21, s25  }
0x39: {  	v12 =	vshra.s32 v12, $0x7;
	v14 =	vsel vm0, $0xFFFFFFFF, v3;
	v16 =	vmov s21  }
0x3a: {  	v11 =	vadd.s32 v15, v11;
	v12 =	vadd.s32 v14, v12;
	v14 =	vadd.s32 $0xFFFFFFFF, v16  }
0x3b: {  	vm1 =	veq.s32 v13, v0;
	vm0 =	vne.s32 v11, v12;
	v12 =	vbroadcast v14, $0x0  }
0x3c: {  	vm0 =	vmor vm1, vm0  }
0x3d: {  	v13 =	vsel vm0, $0x1, v3  }
0x3e: {  	(xrf0) =	vadd.scan.msk.s32 $0xffff, v13;
	_ =	sdelay $0x3  }
.Ltmp2:
0x3f: {  	(pc) =	sbr.rel @p0 .LBB2_2-.Ltmp2, $4  }
0x40: {  	_ = 	snop  }
0x41: {  	v13, _, _ =	vpop (xrf0)  }
0x42: {  	s20 =	sadd.s32 $0x10, s20;
	v12 =	vadd.s32 v13, v12;
	(v2sf) =	vpush v13, $0xF  }
0x43: {  	s24 =	sadd.s32 $0x10, s24;
	v13 =	vadd.s32 s22, v4;
	[tilespmem:s20+$0x0] =	vst v12  }
0x44: {  	_ =	sdelay $0x2  }
0x45: {  	vm1 =	vgt.s32 v13, $0x0  }
0x46: {  	v13 =	vnsel vm1, $0x0, v13  }
0x47: {  	[tilespmem:v12+s10+$0x0] =	vst.idx.msk vm0, v11;
	s23 =	sadd.s32 $0x10, s23  }
0x48: {  	v11 =	vld [tilespmem:s23+$0x0];
	_ =	sdelay $0x2  }
0x49: {  	v12 =	vld.idx.msk [tilespmem:v13+s4+$0x0], $0xffff;
	_ =	sdelay $0x1  }
0x4a: {  	v57 =	vshra.s32 v11, $0x1F  }
0x4b: {  	v14 =	vand.u32 $0x7F, v11;
	v13 =	vshrl.u32 v57, $0x19  }
0x4c: {  	vm11 =	vlt.s32 v11, $0x1;
	vm12 =	vne.s32 v14, $0x0;
	v11 =	vadd.s32 v13, v11  }
0x4d: {  	vm0 =	vmand vm11, vm12;
	v58 =	vshra.s32 v12, $0x1F;
	v59 =	vand.u32 $0x7F, v12  }
0x4e: {  	vm13 =	vlt.s32 v12, $0x1;
	v13 =	vshrl.u32 v58, $0x19;
	vm2 =	vne.s32 v59, $0x0  }
0x4f: {  	v11 =	vshra.s32 v11, $0x7;
	v12 =	vadd.s32 v13, v12;
	vm1 =	vmand vm13, vm2  }
0x50: {  	v60 =	vsel vm0, $0xFFFFFFFF, v3;
	v12 =	vshra.s32 v12, $0x7;
	v61 =	vsel vm1, $0xFFFFFFFF, v3  }
0x51: {  	v15 =	vmov s22;
	v11 =	vadd.s32 v60, v11;
	v12 =	vadd.s32 v61, v12  }
0x52: {  	vm15 =	veq.s32 v15, v0;
	vm14 =	vne.s32 v11, v12  }
0x53: {  	vm0 =	vmor vm15, vm14  }
0x54: {  	v62 =	vsel vm0, $0x1, v3  }
0x55: {  	(xrf0) =	vadd.scan.msk.s32 $0xffff, v62;
	_ =	sdelay $0x5  }
0x56: {  	v12, _, _ =	vpop (xrf0)  }
0x57: {  	(v2sf) =	vpush v12, $0xF  }
0x58: {  	s30 =	spop (v2sf)  }
0x59: {  	s21 =	sadd.s32 s21, s30  }
0x5a: {  	v63 =	vmov s21  }
0x5b: {  	v13 =	vadd.s32 $0xFFFFFFFF, v63  }
0x5c: {  	v13 =	vbroadcast v13, $0x0;
	_ =	sdelay $0x1  }
0x5d: {  	v12 =	vadd.s32 v12, v13;
	_ =	sdelay $0x2  }
0x5e: {  	s20 =	sadd.s32 $0x10, s20  }
0x5f: {  	[tilespmem:s20+$0x0] =	vst v12  }
0x60: {  	[tilespmem:v12+s10+$0x0] =	vst.idx.msk vm0, v11  }
0x61: {  	v11 =	vld.idx.msk [tilespmem:v0+s10+$0x0], $0xffff;
	_ =	sdelay $0x1  }
0x62: {  	s31 =	spop (v2sf)  }
0x63: {  	s20 =	sadd.s32 s21, s31  }
0x64: {  	p0 =	slt.s32 s20, $0x1  }
0x65: {  	(v2sf) =	vpush @!p0 v11, $0x0;
	_ =	sdelay $0xe  }
0x66: {  	s21 =	spop @!p0 (v2sf)  }
0x67: {  	s22 =	simm.s32 @!p0 $0x400;
	s21 =	sshll.u32 @!p0 s21, $0x7  }
0x68: {  	s23 =	simm.s32 @!p0 $0x7A1400;
	s21 =	sand.u32 @!p0 $0x1FFFFF80, s21  }
0x69: {  	s24 =	simm.s32 @!p0 $0x980;
	p1 =	seq.s32 @!p0 s20, $0x1;
	s21 =	sadd.s32 @!p0 s1, s21  }
0x6a: {  	[tilespmem:s24], [sflag:$0x1] =	stream.strided.gather @!p0 [hbm4b:s21+s22], $0x2000, s23, s22, $0x38;
	[tilespmem:$0x1C980] =	vst v63  }
0x6b: {  	p0 =	por p0, p1  }
.Ltmp3:
0x6c: {  	_ = 	snop;
	(pc) =	sbr.rel @p0 .LBB2_5-.Ltmp3, $1  }
0x6d: {  	_ =	sdelay $0x3  }
0x6e: {  	(v2sf) =	vpush v11, $0x1;
	_ =	sdelay $0x2  }
0x6f: {  	p2 =	slt.u32 s20, $0x3  }
0x70: {  	(v2sf) =	vpush @!p2 v11, $0x2;
	_ =	sdelay $0x3  }
0x71: {  	p0 =	seq.s32 @!p2 s20, $0x3  }
0x72: {  	p1 =	por p0, p2  }
0x73: {  	(v2sf) =	vpush @!p1 v11, $0x3;
	_ =	sdelay $0x1  }
0x74: {  	p3 =	slt.u32 @!p1 s20, $0x5  }
0x75: {  	p0 =	por @!p2 p3, p0  }
0x76: {  	p0 =	por p0, p2  }
0x77: {  	s21 =	spop (v2sf);
	(v2sf) =	vpush @!p0 v11, $0x4;
	_ =	sdelay $0x1  }
0x78: {  	s21 =	sshll.u32 s21, $0x7  }
0x79: {  	s21 =	sand.u32 $0x1FFFFF80, s21  }
0x7a: {  	s22 =	spop @!p2 (v2sf);
	s21 =	sadd.s32 s1, s21  }
0x7b: {  	[tilespmem:s18], [sflag:$0x2] =	stream.strided.gather [hbm4b:s21+s11], $0x2000, s12, s11, $0x38;
	[tilespmem:$0x1C980] =	vst v63  }
0x7c: {  	s21 =	sshll.u32 @!p2 s22, $0x7  }
0x7d: {  	s23 =	simm.s32 @!p2 $0x7A1400;
	s21 =	sand.u32 @!p2 $0x1FFFFF80, s21  }
0x7e: {  	s24 =	simm.s32 @!p2 $0x4980;
	s22 =	simm.s32 @!p2 $0x400;
	s21 =	sadd.s32 @!p2 s1, s21  }
0x7f: {  	[tilespmem:s24], [sflag:$0x3] =	stream.strided.gather @!p2 [hbm4b:s21+s22], $0x2000, s23, s22, $0x38;
	[tilespmem:$0x1C980] =	vst v63  }
0x80: {  	s21 =	spop @!p1 (v2sf)  }
0x81: {  	s21 =	sshll.u32 @!p1 s21, $0x7  }
0x82: {  	s22 =	simm.s32 @!p1 $0x400;
	s21 =	sand.u32 @!p1 $0x1FFFFF80, s21  }
0x83: {  	s23 =	simm.s32 @!p1 $0x7A1400;
	s24 =	simm.s32 @!p1 $0x6980;
	s21 =	sadd.s32 @!p1 s1, s21  }
0x84: {  	[tilespmem:s24], [sflag:$0x4] =	stream.strided.gather @!p1 [hbm4b:s21+s22], $0x2000, s23, s22, $0x38;
	[tilespmem:$0x1C980] =	vst v63  }
0x85: {  	s21 =	spop @!p0 (v2sf)  }
0x86: {  	s21 =	sshll.u32 @!p0 s21, $0x7  }
0x87: {  	s22 =	simm.s32 @!p0 $0x400;
	s21 =	sand.u32 @!p0 $0x1FFFFF80, s21  }
0x88: {  	s23 =	simm.s32 @!p0 $0x7A1400;
	s24 =	simm.s32 @!p0 $0x8980;
	s21 =	sadd.s32 @!p0 s1, s21  }
0x89: {  	[tilespmem:s24], [sflag:$0x5] =	stream.strided.gather @!p0 [hbm4b:s21+s22], $0x2000, s23, s22, $0x38;
	[tilespmem:$0x1C980] =	vst v63  }
.LBB2_5:
0x8a: {  	s21 =	sadd.s32 $0x4, s20  }
0x8b: {  	s22 =	smulhi.u32 $0x66666667, s21;
	s23 =	sshra.s32 s21, $0x1F  }
0x8c: {  	s23 =	smul.u32 $0x66666667, s23;
	_ =	sdelay $0x1  }
0x8d: {  	s22 =	sadd.s32 s23, s22  }
0x8e: {  	s23 =	sshrl.u32 s22, $0x1F;
	s22 =	sshra.s32 s22, $0x1  }
0x8f: {  	s22 =	sadd.s32 s23, s22  }
0x90: {  	s23 =	smul.u32 $0xFFFFFFFB, s22  }
0x91: {  	s24 =	ssub.s32 $0xFFFFFFFC, s20  }
0x92: {  	p0 =	slt.s32 s21, $0x1;
	p1 =	sne.s32 s23, s24  }
0x93: {  	p0 =	por !p0, !p1  }
0x94: {  	s21 =	simm.s32 $0x1;
	p0 =	por !p0, !p0  }
0x95: {  	s21 =	simm.s32 @!p0 $0x0  }
0x96: {  	s21 =	ssub.s32 s22, s21  }
0x97: {  	p0 =	sgt.s32 s21, $0x0  }
.Ltmp4:
0x98: {  	_ = 	snop;
	(pc) =	sbr.rel @p0 .LBB2_9-.Ltmp4, $4  }
.Ltmp5:
0x99: {  	_ = 	snop;
	(pc) =	sbr.rel @!p0 .LBB2_6-.Ltmp5, $4  }
0x9a: {  	_ = 	snop  }
0x9b: {  	_ = 	snop  }
0x9c: {  	s26 =	simm.s32 $0x0;
	s23 =	simm.s32 $0x0;
	s22 =	simm.s32 $0x0  }
0x9d: {  	_ = 	snop  }
.LBB2_8:
0x9e: {  	p0 =	seq.s32 s24, s21  }
.Ltmp6:
0x9f: {  	_ = 	snop;
	(pc) =	sbr.rel @p0 .LBB2_6-.Ltmp6, $2  }
0xa0: {  	_ =	sdelay $0x2  }
0xa1: {  	s26 =	smov.u32 s24  }
.LBB2_9:
0xa2: {  	s28 =	smul.u32 $0x5, s26;
	_ =	sdelay $0x1  }
0xa3: {  	p0 =	sge.s32 s28, s20  }
0xa4: {  	s24 =	simm.s32 @!p0 $0x1  }
0xa5: {  	s25 =	sadd.s32 $0x1, s28;
	_ =	swait.ge @!p0 [sflag:s24], $0x2000  }
0xa6: {  	p1 =	sge.s32 s25, s20;
	[sflag:s24] =	ssyncset.done @!p0 $0x0  }
0xa7: {  	[sflag:s24] =	ssyncadd.s32 @!p0 $0xFFFFE000;
	s24 =	simm.s32 @!p1 $0x2  }
0xa8: {  	s29 =	sadd.s32 $0x2, s28;
	_ =	swait.ge @!p1 [sflag:s24], $0x2000  }
0xa9: {  	p0 =	sge.s32 s29, s20;
	[sflag:s24] =	ssyncset.done @!p1 $0x0  }
0xaa: {  	[sflag:s24] =	ssyncadd.s32 @!p1 $0xFFFFE000;
	s24 =	simm.s32 @!p0 $0x3  }
0xab: {  	s30 =	sadd.s32 $0x3, s28;
	_ =	swait.ge @!p0 [sflag:s24], $0x2000  }
0xac: {  	p1 =	sge.s32 s30, s20;
	[sflag:s24] =	ssyncset.done @!p0 $0x0  }
0xad: {  	[sflag:s24] =	ssyncadd.s32 @!p0 $0xFFFFE000;
	s24 =	simm.s32 @!p1 $0x4  }
0xae: {  	_ =	swait.ge @!p1 [sflag:s24], $0x2000  }
0xaf: {  	[sflag:s24] =	ssyncset.done @!p1 $0x0  }
0xb0: {  	[sflag:s24] =	ssyncadd.s32 @!p1 $0xFFFFE000;
	s24 =	sadd.s32 $0x1, s26  }
0xb1: {  	s31 =	sadd.s32 $0x4, s28;
	p1 =	sge.s32 s24, s21  }
.Ltmp7:
0xb2: {  	p0 =	sge.s32 s31, s20;
	(pc) =	sbr.rel @p1 .LBB2_14-.Ltmp7, $4  }
0xb3: {  	s25 =	simm.s32 @!p0 $0x5  }
0xb4: {  	_ =	swait.ge @!p0 [sflag:s25], $0x2000  }
0xb5: {  	[sflag:s25] =	ssyncset.done @!p0 $0x0  }
0xb6: {  	[sflag:s25] =	ssyncadd.s32 @!p0 $0xFFFFE000;
	s25 =	smul.u32 $0x5, s24  }
0xb7: {  	s29 =	sand.u32 $0x1, s24  }
0xb8: {  	v11 =	vadd.s32 s25, v0;
	p0 =	seq.s32 s29, $0x1  }
.Ltmp8:
0xb9: {  	_ = 	snop;
	(pc) =	sbr.rel @!p0 .LBB2_11-.Ltmp8, $2  }
0xba: {  	_ =	sdelay $0x2  }
0xbb: {  	p3 =	sge.s32 s25, s20;
	v11 =	vld.idx.msk [tilespmem:v11+s10+$0x0], $0xffff  }
0xbc: {  	_ =	sdelay $0x3  }
0xbd: {  	(v2sf) =	vpush @!p3 v11, $0x0;
	_ =	sdelay $0x2  }
0xbe: {  	s0 =	sadd.s32 $0x1, s25  }
0xbf: {  	p2 =	sge.s32 s0, s20  }
0xc0: {  	(v2sf) =	vpush @!p2 v11, $0x1;
	_ =	sdelay $0x2  }
0xc1: {  	s30 =	sadd.s32 $0x2, s25  }
0xc2: {  	p1 =	sge.s32 s30, s20  }
0xc3: {  	(v2sf) =	vpush @!p1 v11, $0x2;
	_ =	sdelay $0x2  }
0xc4: {  	s29 =	sadd.s32 $0x3, s25  }
0xc5: {  	p0 =	sge.s32 s29, s20  }
0xc6: {  	s0 =	spop @!p3 (v2sf);
	(v2sf) =	vpush @!p0 v11, $0x3  }
0xc7: {  	s0 =	sshll.u32 @!p3 s0, $0x7  }
0xc8: {  	s31 =	simm.s32 @!p3 $0xA980;
	s0 =	sand.u32 @!p3 $0x1FFFFF80, s0  }
0xc9: {  	s29 =	simm.s32 @!p3 $0x400;
	s30 =	simm.s32 @!p3 $0x7A1400;
	s0 =	sadd.s32 @!p3 s1, s0  }
0xca: {  	[tilespmem:s31], [sflag:$0x1] =	stream.strided.gather @!p3 [hbm4b:s0+s29], $0x2000, s30, s29, $0x38;
	[tilespmem:$0x1C980] =	vst v63  }
0xcb: {  	s0 =	spop @!p2 (v2sf)  }
0xcc: {  	s0 =	sshll.u32 @!p2 s0, $0x7  }
0xcd: {  	s29 =	simm.s32 @!p2 $0x400;
	s0 =	sand.u32 @!p2 $0x1FFFFF80, s0  }
0xce: {  	s30 =	simm.s32 @!p2 $0x7A1400;
	s31 =	simm.s32 @!p2 $0xC980;
	s0 =	sadd.s32 @!p2 s1, s0  }
0xcf: {  	[tilespmem:s31], [sflag:$0x2] =	stream.strided.gather @!p2 [hbm4b:s0+s29], $0x2000, s30, s29, $0x38;
	[tilespmem:$0x1C980] =	vst v63  }
0xd0: {  	s0 =	spop @!p1 (v2sf)  }
0xd1: {  	s0 =	sshll.u32 @!p1 s0, $0x7  }
0xd2: {  	s29 =	simm.s32 @!p1 $0x400;
	s0 =	sand.u32 @!p1 $0x1FFFFF80, s0  }
0xd3: {  	s30 =	simm.s32 @!p1 $0x7A1400;
	s31 =	simm.s32 @!p1 $0xE980;
	s0 =	sadd.s32 @!p1 s1, s0  }
0xd4: {  	[tilespmem:s31], [sflag:$0x3] =	stream.strided.gather @!p1 [hbm4b:s0+s29], $0x2000, s30, s29, $0x38;
	[tilespmem:$0x1C980] =	vst v63  }
0xd5: {  	s0 =	spop @!p0 (v2sf)  }
0xd6: {  	s0 =	sshll.u32 @!p0 s0, $0x7  }
0xd7: {  	s29 =	simm.s32 @!p0 $0x400;
	s0 =	sand.u32 @!p0 $0x1FFFFF80, s0  }
0xd8: {  	s30 =	simm.s32 @!p0 $0x7A1400;
	s31 =	simm.s32 @!p0 $0x10980;
	s0 =	sadd.s32 @!p0 s1, s0  }
0xd9: {  	[tilespmem:s31], [sflag:$0x4] =	stream.strided.gather @!p0 [hbm4b:s0+s29], $0x2000, s30, s29, $0x38;
	[tilespmem:$0x1C980] =	vst v63  }
0xda: {  	s31 =	sadd.s32 $0x4, s25  }
0xdb: {  	p0 =	sge.s32 s31, s20  }
.Ltmp9:
0xdc: {  	_ = 	snop;
	(pc) =	sbr.rel @p0 .LBB2_14-.Ltmp9, $2  }
0xdd: {  	_ =	sdelay $0x2  }
0xde: {  	s29 =	simm.s32 $0x12980  }
.LBB2_13:
0xdf: {  	(v2sf) =	vpush v11, $0x4;
	_ =	sdelay $0xe  }
0xe0: {  	s0 =	spop (v2sf)  }
0xe1: {  	s0 =	sshll.u32 s0, $0x7  }
0xe2: {  	s0 =	sand.u32 $0x1FFFFF80, s0  }
0xe3: {  	s0 =	sadd.s32 s1, s0  }
0xe4: {  	[tilespmem:s29], [sflag:$0x5] =	stream.strided.gather [hbm4b:s0+s11], $0x2000, s12, s11, $0x38;
	[tilespmem:$0x1C980] =	vst v63  }
.LBB2_14:
0xe5: {  	s0 =	sand.u32 $0x1, s26  }
0xe6: {  	p0 =	seq.s32 s0, $0x1;
	s0 =	simm.s32 $0x5  }
0xe7: {  	s0 =	simm.s32 @!p0 $0x0  }
0xe8: {  	s26 =	ssub.s32 s0, s28  }
.LBB2_15:
0xe9: {  	s0 =	sshll.u32 s22, $0x7  }
0xea: {  	s28 =	sadd.s32 $0x80, s0  }
.LBB2_16:
0xeb: {  	v11 =	vmov s23;
	_ =	sdelay $0x4  }
0xec: {  	v12 =	vld.idx.msk [tilespmem:v11+s13+$0x0], $0xffff;
	_ =	sdelay $0x4  }
0xed: {  	(v2sf) =	vpush v12, $0x0;
	_ =	sdelay $0xe  }
0xee: {  	p0 =	sgt.s32 s23, $0x1FF;
	s29 =	spop (v2sf)  }
0xef: {  	p1 =	sge.s32 @!p0 s29, s25  }
0xf0: {  	p0 =	por p0, p1  }
.Ltmp10:
0xf1: {  	_ = 	snop;
	(pc) =	sbr.rel @p0 .LBB2_8-.Ltmp10, $1  }
0xf2: {  	_ =	sdelay $0x3  }
0xf3: {  	_ =	sdelay $0x3  }
0xf4: {  	v11 =	vld.idx.msk [tilespmem:v11+s4+$0x0], $0xffff;
	_ =	sdelay $0x4  }
0xf5: {  	(v2sf) =	vpush v11, $0x0;
	_ =	sdelay $0xe  }
0xf6: {  	s0 =	spop (v2sf)  }
0xf7: {  	s30 =	sand.u32 $0x7F, s0  }
0xf8: {  	s31 =	sshra.s32 s0, $0x1F;
	p0 =	slt.s32 s0, $0x1;
	p1 =	sne.s32 s30, $0x0  }
0xf9: {  	s31 =	sshrl.u32 s31, $0x19;
	p0 =	por !p0, !p1  }
0xfa: {  	s30 =	sadd.s32 s31, s0;
	s31 =	simm.s32 $0x1;
	p0 =	por !p0, !p0  }
0xfb: {  	s30 =	sshrl.u32 s30, $0x7;
	s31 =	simm.s32 @!p0 $0x0  }
0xfc: {  	s30 =	ssub.s32 s31, s30  }
0xfd: {  	s30 =	sshll.u32 s30, $0x7  }
0xfe: {  	s0 =	sadd.s32 s0, s30  }
0xff: {  	s29 =	sadd.s32 s29, s26;
	s3 =	sshra.s32 s23, $0x1F;
	s31 =	sand.u32 $0xFF, s23;
	v11 =	vmov s0  }
0x100: {  	p5 =	slt.s32 s23, $0x1;
	s29 =	sshll.u32 s29, $0xD;
	p6 =	sne.s32 s31, $0x0;
	v12 =	vand.u32 $0xFFFFFF80, v11  }
0x101: {  	p0 =	por !p5, !p6;
	s0 =	sshrl.u32 s3, $0x18;
	v11 =	vand.u32 $0x7F, v11;
	v12 =	vadd.s32 s29, v12  }
0x102: {  	p0 =	por !p0, !p0;
	s0 =	sadd.s32 s0, s23;
	s29 =	simm.s32 $0x1;
	v11 =	vor.u32 v11, v12  }
0x103: {  	s0 =	sshrl.u32 s0, $0x8;
	s29 =	simm.s32 @!p0 $0x0;
	v12 =	vadd.s32 v1, v11  }
0x104: {  	s0 =	ssub.s32 s29, s0  }
0x105: {  	s0 =	sshll.u32 s0, $0x8  }
0x106: {  	s0 =	sadd.s32 s0, s23  }
0x107: {  	s0 =	sshll.u32 s0, $0x7  }
0x108: {  	v13 =	vor.u32 s0, v0;
	v12 =	vld.idx.msk [tilespmem:v12+s14+$0x0], $0xffff  }
0x109: {  	v14 =	vadd.s32 v5, v11;
	_ =	sdelay $0x3  }
0x10a: {  	[tilespmem:v13+s15+$0x0] =	vst.idx.msk $0xffff, v12  }
0x10b: {  	v60 =	vor.u32 s0, v6;
	v12 =	vld.idx.msk [tilespmem:v14+s14+$0x0], $0xffff  }
0x10c: {  	v61 =	vadd.s32 v7, v11;
	_ =	sdelay $0x3  }
0x10d: {  	[tilespmem:v60+s15+$0x0] =	vst.idx.msk $0xffff, v12  }
0x10e: {  	v62 =	vor.u32 s0, v8;
	v12 =	vld.idx.msk [tilespmem:v61+s14+$0x0], $0xffff  }
0x10f: {  	v11 =	vadd.s32 v9, v11;
	_ =	sdelay $0x3  }
0x110: {  	s23 =	sadd.s32 $0x1, s23;
	[tilespmem:v62+s15+$0x0] =	vst.idx.msk $0xffff, v12  }
0x111: {  	p0 =	sgt.s32 s28, s23;
	v63 =	vor.u32 s0, v10;
	v11 =	vld.idx.msk [tilespmem:v11+s14+$0x0], $0xffff  }
.Ltmp11:
0x112: {  	_ = 	snop;
	(pc) =	sbr.rel @p0 .LBB2_16-.Ltmp11, $2  }
0x113: {  	_ =	sdelay $0x2  }
0x114: {  	[tilespmem:v63+s15+$0x0] =	vst.idx.msk $0xffff, v11  }
0x115: {  	s0 =	sand.u32 $0x1, s22  }
0x116: {  	s31 =	sshrl.u32 s22, $0x1F;
	p1 =	slt.s32 s22, $0x1;
	s29 =	simm.s32 $0x1  }
0x117: {  	s30 =	simm.s32 $0x1;
	s28 =	sadd.s32 $0x80, s28;
	p0 =	seq.s32 s0, $0x1  }
0x118: {  	s0 =	sadd.s32 s31, s22;
	s30 =	simm.s32 @!p1 $0x0;
	s29 =	simm.s32 @!p0 $0x0  }
0x119: {  	p1 =	sgt.s32 s28, s23;
	s0 =	sshrl.u32 s0, $0x1;
	s29 =	smin.u32 s30, s29  }
.Ltmp12:
0x11a: {  	s30 =	sshll.u32 s22, $0x10;
	s0 =	ssub.s32 s29, s0;
	(pc) =	sbr.rel @p1 .LBB2_20-.Ltmp12, $4  }
0x11b: {  	s29 =	sshra.s32 s30, $0x2;
	s30 =	sshll.u32 s22, $0x9;
	s0 =	sshll.u32 s0, $0x11  }
0x11c: {  	s29 =	sadd.s32 $0x14980, s29;
	s30 =	sshra.s32 s30, $0x2;
	s0 =	sshra.s32 s0, $0x2  }
0x11d: {  	s22 =	sadd.s32 $0x1, s22;
	s30 =	sadd.s32 $0x780, s30;
	s0 =	sadd.s32 s0, s29  }
0x11e: {  	[hbm4b:s2+s16] =	stream.indirect.scatter [tilespmem:s0], [sflag:$0x6], $0x80, s30, s16, $0xb8;
	[tilespmem:$0x1C980] =	vst v63  }
.LBB2_19:
0x11f: {  	s0 =	sshrl.u32 s22, $0x1F  }
0x120: {  	p1 =	slt.s32 s22, $0x1;
	p0 =	por !p0, !p0;
	s31 =	simm.s32 $0x1  }
0x121: {  	s3 =	simm.s32 $0x1;
	s29 =	sadd.s32 $0x4000, s29;
	s28 =	sadd.s32 $0x80, s28  }
0x122: {  	s31 =	simm.s32 @!p0 $0x0;
	s0 =	sadd.s32 s0, s22;
	s3 =	simm.s32 @!p1 $0x0  }
0x123: {  	p1 =	sgt.s32 s28, s23;
	s0 =	sshrl.u32 s0, $0x1;
	s3 =	smin.u32 s3, s31  }
.Ltmp13:
0x124: {  	s22 =	sadd.s32 $0x1, s22;
	s0 =	ssub.s32 s3, s0;
	(pc) =	sbr.rel @!p1 .LBB2_19-.Ltmp13, $4  }
0x125: {  	s30 =	sadd.s32 $0x80, s30;
	s0 =	sshll.u32 s0, $0x11;
	_ =	swait.ge [sflag:s17], $0x4000  }
0x126: {  	s0 =	sshra.s32 s0, $0x2;
	[sflag:s17] =	ssyncset.done $0x0  }
0x127: {  	s0 =	sadd.s32 s0, s29;
	[sflag:s17] =	ssyncadd.s32 $0xFFFFC000  }
0x128: {  	[hbm4b:s2+s16] =	stream.indirect.scatter [tilespmem:s0], [sflag:$0x6], $0x80, s30, s16, $0xb8;
	[tilespmem:$0x1C980] =	vst v63  }
.LBB2_20:
.Ltmp14:
0x129: {  	(pc) =	sbr.rel .LBB2_15-.Ltmp14, $4  }
0x12a: {  	_ = 	snop  }
0x12b: {  	_ =	swait.ge [sflag:s17], $0x4000  }
0x12c: {  	[sflag:s17] =	ssyncset.done $0x0  }
0x12d: {  	[sflag:s17] =	ssyncadd.s32 $0xFFFFC000  }
.LBB2_11:
0x12e: {  	_ =	sdelay $0x3  }
0x12f: {  	(v2sf) =	vpush @!p3 v11, $0x0;
	_ =	sdelay $0x2  }
0x130: {  	s29 =	sor.u32 $0x1, s25  }
0x131: {  	p2 =	sge.s32 s29, s20  }
0x132: {  	(v2sf) =	vpush @!p2 v11, $0x1;
	_ =	sdelay $0x2  }
0x133: {  	s29 =	sadd.s32 $0x2, s25  }
0x134: {  	p1 =	sge.s32 s29, s20  }
0x135: {  	(v2sf) =	vpush @!p1 v11, $0x2;
	_ =	sdelay $0x2  }
0x136: {  	s30 =	sadd.s32 $0x3, s25  }
0x137: {  	p0 =	sge.s32 s30, s20  }
0x138: {  	s29 =	spop @!p3 (v2sf);
	(v2sf) =	vpush @!p0 v11, $0x3  }
0x139: {  	s29 =	sshll.u32 @!p3 s29, $0x7  }
0x13a: {  	s31 =	simm.s32 @!p3 $0x7A1400;
	s29 =	sand.u32 @!p3 $0x1FFFFF80, s29  }
0x13b: {  	s0 =	simm.s32 @!p3 $0x980;
	s30 =	simm.s32 @!p3 $0x400;
	s29 =	sadd.s32 @!p3 s1, s29  }
0x13c: {  	[tilespmem:s0], [sflag:$0x1] =	stream.strided.gather @!p3 [hbm4b:s29+s30], $0x2000, s31, s30, $0x38;
	[tilespmem:$0x1C980] =	vst v63  }
0x13d: {  	s0 =	spop @!p2 (v2sf)  }
0x13e: {  	s0 =	sshll.u32 @!p2 s0, $0x7  }
0x13f: {  	s29 =	simm.s32 @!p2 $0x400;
	s0 =	sand.u32 @!p2 $0x1FFFFF80, s0  }
0x140: {  	s30 =	simm.s32 @!p2 $0x7A1400;
	s31 =	simm.s32 @!p2 $0x2980;
	s0 =	sadd.s32 @!p2 s1, s0  }
0x141: {  	[tilespmem:s31], [sflag:$0x2] =	stream.strided.gather @!p2 [hbm4b:s0+s29], $0x2000, s30, s29, $0x38;
	[tilespmem:$0x1C980] =	vst v63  }
0x142: {  	s0 =	spop @!p1 (v2sf)  }
0x143: {  	s0 =	sshll.u32 @!p1 s0, $0x7  }
0x144: {  	s29 =	simm.s32 @!p1 $0x400;
	s0 =	sand.u32 @!p1 $0x1FFFFF80, s0  }
0x145: {  	s30 =	simm.s32 @!p1 $0x7A1400;
	s31 =	simm.s32 @!p1 $0x4980;
	s0 =	sadd.s32 @!p1 s1, s0  }
0x146: {  	[tilespmem:s31], [sflag:$0x3] =	stream.strided.gather @!p1 [hbm4b:s0+s29], $0x2000, s30, s29, $0x38;
	[tilespmem:$0x1C980] =	vst v63  }
0x147: {  	s0 =	spop @!p0 (v2sf)  }
0x148: {  	s0 =	sshll.u32 @!p0 s0, $0x7  }
0x149: {  	s29 =	simm.s32 @!p0 $0x400;
	s0 =	sand.u32 @!p0 $0x1FFFFF80, s0  }
0x14a: {  	s30 =	simm.s32 @!p0 $0x7A1400;
	s31 =	simm.s32 @!p0 $0x6980;
	s0 =	sadd.s32 @!p0 s1, s0  }
0x14b: {  	[tilespmem:s31], [sflag:$0x4] =	stream.strided.gather @!p0 [hbm4b:s0+s29], $0x2000, s30, s29, $0x38;
	[tilespmem:$0x1C980] =	vst v63  }
0x14c: {  	s31 =	sadd.s32 $0x4, s25  }
0x14d: {  	p0 =	slt.s32 s31, s20  }
.Ltmp15:
0x14e: {  	_ = 	snop;
	(pc) =	sbr.rel @p0 .LBB2_13-.Ltmp15, $4  }
.Ltmp16:
0x14f: {  	_ = 	snop;
	(pc) =	sbr.rel @!p0 .LBB2_14-.Ltmp16, $4  }
0x150: {  	_ = 	snop  }
0x151: {  	_ = 	snop  }
0x152: {  	s29 =	simm.s32 $0x8980  }
0x153: {  	_ = 	snop  }
.LBB2_7:
0x154: {  	_ =	sfence.sel $0x180000  }
0x155: {  	[bflag:$0x0] =	sbarrier.arrive $0xFFFF  }
0x156: {  	_ =	strace $0x90000047  }
0x157: {  	s0 =	stileid.u32;
	[bflag:$0x2] =	sbarrier.arrive $0xFFFF  }
0x158: {  	p0 =	sne.s32 s0, $0x0;
	s0 =	rddreg [dreg:$0x3]  }
0x159: {  	s0 =	sadd.s32 @!p0 $0x100000, s0  }
0x15a: {  	[sflag:s0] =	ssyncadd.tile.s32 @!p0 $0x1;
	_ =	shalt  }
.Lfunc_end2:
_tile_overlayer_lowered:
.L_overlay_start_2:
0x15b: {  	(tag) =	ssettag $0x2  }
0x15c: {  	s0 =	rddreg [dreg:$0x0];
	s2 =	stileid.u32  }
0x15d: {  	s1 =	rddreg [dreg:$0x1];
	p0 =	sne.s32 s2, $0x0  }
0x15e: {  	s3 =	rddreg [dreg:$0x2];
	[bflag:$0x3] =	sbarrier.arrive $0xFFFF;
	s2 =	simm.s32 @!p0 $0x1C07  }
0x15f: {  	[timem:s3], [sflag:s2] =	dma.local @!p0 [hbm:s0], s1  }
0x160: {  	s0 =	simm.s32 @!p0 $0x7  }
0x161: {  	_ =	swait.ge @!p0 [sflag:s0], s1  }
0x162: {  	s1 =	ssub.s32 @!p0 $0x0, s1;
	[sflag:s0] =	ssyncset.done @!p0 $0x0  }
0x163: {  	[sflag:s0] =	ssyncadd.s32 @!p0 s1  }
0x164: {  	[bflag:$0x3] =	sbarrier.arrive $0xFFFF  }
0x165: {  	_ =	shalt  }

</sc_bundles>
